<compile_context>
chip_gen: v7x
topology: tpu7x:2x2x1
jax: 0.10.2.dev20260603
libtpu: 0.0.44.dev20260713+nightly
codegen_flags: <defaults>
</compile_context>

<pallas_src>
import functools

import jax
import jax.numpy as jnp
from jax import lax
from jax.experimental import pallas as pl
from jax.experimental.pallas import tpu as pltpu
from jax.experimental.pallas import tpu_sc as plsc

NUM_VOCAB = 100000
EMBED_DIM = 128

_INFO = plsc.get_sparse_core_info()
_NC, _NS = _INFO.num_cores, _INFO.num_subcores
_NW = _NC * _NS

_CHUNK = 80
_D = 10
_K = 7


@functools.partial(jax.jit, static_argnums=(2,))
def _gather_rows(idx_flat, table, n_rows):
    b_per_w = n_rows // _NW
    n_chunks = b_per_w // _CHUNK
    n_super = n_chunks // _D
    mesh = plsc.VectorSubcoreMesh(core_axis_name="c", subcore_axis_name="s")

    @functools.partial(
        pl.kernel,
        mesh=mesh,
        out_type=jax.ShapeDtypeStruct((n_rows, EMBED_DIM), jnp.float32),
        scratch_types=[
            pltpu.VMEM((b_per_w,), jnp.int32),
            pltpu.VMEM((_D, _CHUNK, EMBED_DIM), jnp.float32),
            pltpu.SemaphoreType.DMA((_D,)),
            pltpu.SemaphoreType.DMA((_D,)),
        ],
        compiler_params=pltpu.CompilerParams(use_tc_tiling_on_sc=True),
    )
    def k(idx_hbm, table_hbm, out_hbm, idx_v, rows_v, gsem, wsem):
        wid = lax.axis_index("s") * _NC + lax.axis_index("c")
        w_base = wid * b_per_w
        pltpu.sync_copy(idx_hbm.at[pl.ds(w_base, b_per_w)], idx_v)

        def gather(chunk, b):
            return pltpu.make_async_copy(
                table_hbm.at[idx_v.at[pl.ds(chunk * _CHUNK, _CHUNK)]],
                rows_v.at[b],
                gsem.at[b],
            )

        def writeback(chunk, b):
            return pltpu.make_async_copy(
                rows_v.at[b],
                out_hbm.at[pl.ds(w_base + chunk * _CHUNK, _CHUNK)],
                wsem.at[b],
            )

        for b in range(_K):
            gather(b, b).start()

        def super_step(s, carry):
            for b in range(_D):
                i = s * _D + b
                gather(i, b).wait()
                writeback(i, b).start()
                j = i + _K
                jb = (b + _K) % _D

                @pl.when(j < n_chunks)
                def _():
                    @pl.when(j >= _D)
                    def _():
                        writeback(j - _D, jb).wait()

                    gather(j, jb).start()

            return carry

        lax.fori_loop(0, n_super, super_step, 0)

        for b in range(_D):
            writeback(n_chunks - _D + b, b).wait()

    return k(idx_flat, table)


def kernel(input, table):
    b, h = input.shape
    idx_flat = input.T.reshape(h * b).astype(jnp.int32)
    out = _gather_rows(idx_flat, table, h * b)
    return out.reshape(h, b, EMBED_DIM).transpose(1, 0, 2)

# --- scband reference (transcript-rebuilt; emitter-appended) ---
"""Pipeline reference for scband-word-embedding-17617955848709 (READ-ONLY COPY).

The authoritative reference and input builder live on the scoring server;
editing this copy changes nothing except your own understanding.
"""

import jax, jax.numpy as jnp
import numpy as np

NUM_VOCAB = 100000
EMBED_DIM = 128
PAD_ID = 0
BATCH = 4096
HIST_LEN = 50


def setup_inputs(seed: int = 0) -> dict:
    key = jax.random.key(seed)
    k_idx, k_tab = jax.random.split(key)
    indices = jax.random.randint(k_idx, (BATCH, HIST_LEN), 0, NUM_VOCAB, dtype=jnp.int64 if jax.config.jax_enable_x64 else jnp.int32)
    table = jax.random.normal(k_tab, (NUM_VOCAB, EMBED_DIM), dtype=jnp.float32)
    # padding_idx row is zero-initialized in nn.Embedding
    table = table.at[PAD_ID].set(0.0)
    return {"input": indices, "table": table}


def reference(input, table):
    # nn.Embedding forward: row gather from the embedding table
    embeded = jnp.take(table, input, axis=0)
    return embeded

if __name__ == "__main__":
    import jax
    _d = setup_inputs()
    print(jax.jit(kernel)(*tuple(_d.values())))

</pallas_src>

<mosaic_0001>
#map = affine_map<(d0, d1) -> (0)>
#map1 = affine_map<(d0, d1) -> (0, 0)>
module attributes {stable_mosaic.version = 14 : i64} {
  func.func @k(%arg0: i32, %arg1: i32, %arg2: memref<204800xi32, #tpu.memory_space<hbm>>, %arg3: memref<100000x128xf32, #tpu.memory_space<hbm>>, %arg4: memref<204800x128xf32, #tpu.memory_space<hbm>>, %arg5: memref<6400xi32, #tpu.memory_space<vmem>>, %arg6: memref<10x80x128xf32, #tpu.memory_space<vmem>>, %arg7: memref<10x!tpu.dma_semaphore, #tpu.memory_space<semaphore_mem>>, %arg8: memref<10x!tpu.dma_semaphore, #tpu.memory_space<semaphore_mem>>) attributes {dimension_semantics = [#tpu.dimension_semantics<core_parallel>, #tpu.dimension_semantics<subcore_parallel>], iteration_bounds = array<i64: 2, 16>, scalar_prefetch = 0 : i64, scratch_operands = 4 : i64, tpu.core_type = #tpu.core_type<sc_vector_subcore>, window_params = [{transform_indices = #map}, {transform_indices = #map1}, {transform_indices = #map1}]} {
    %mul3A = arith.constant 2 : i32
    %mul3A_0 = arith.muli %arg1, %mul3A : i32
    %add3A = arith.addi %mul3A_0, %arg0 : i32
    %mul3A_1 = arith.constant 6400 : i32
    %mul3A_2 = arith.muli %add3A, %mul3A_1 : i32
    "tpu.region"() ({
      %run_scoped3A = tpu.sem_alloc : memref<!tpu.dma_semaphore, #tpu.memory_space<semaphore_mem>>
      %dma_start3A_277 = tpu.memref_slice %arg2[%mul3A_2] : memref<204800xi32, #tpu.memory_space<hbm>> -> memref<6400xi32, #tpu.memory_space<hbm>>
      %dma_start3A_278 = tpu.memref_slice %arg2[%mul3A_2] : memref<204800xi32, #tpu.memory_space<hbm>> -> memref<6400xi32, #tpu.memory_space<hbm>>
      tpu.enqueue_dma source(%dma_start3A_278 : memref<6400xi32, #tpu.memory_space<hbm>>) target(%arg5 : memref<6400xi32, #tpu.memory_space<vmem>>) target_semaphore(%run_scoped3A : memref<!tpu.dma_semaphore, #tpu.memory_space<semaphore_mem>>)
      %dma_wait3A_279 = tpu.memref_slice %arg2[%mul3A_2] : memref<204800xi32, #tpu.memory_space<hbm>> -> memref<6400xi32, #tpu.memory_space<hbm>>
      %dma_wait3A_280 = tpu.memref_slice %arg2[%mul3A_2] : memref<204800xi32, #tpu.memory_space<hbm>> -> memref<6400xi32, #tpu.memory_space<hbm>>
      tpu.wait_dma2 semaphore(%run_scoped3A : memref<!tpu.dma_semaphore, #tpu.memory_space<semaphore_mem>>) src(%dma_wait3A_280 : memref<6400xi32, #tpu.memory_space<hbm>>) dst(%arg5 : memref<6400xi32, #tpu.memory_space<vmem>>)
      tpu.yield
    }) : () -> ()
    %dma_start3A = arith.constant 0 : i32
    %dma_start3A_3 = arith.constant 0 : i32
    %dma_start3A_4 = arith.constant 0 : i32
    %dma_start3A_5 = arith.constant 0 : i32
    %dma_start3A_6 = tpu.memref_slice %arg6[%dma_start3A, %dma_start3A_4, %dma_start3A_5] : memref<10x80x128xf32, #tpu.memory_space<vmem>> -> memref<1x80x128xf32, #tpu.memory_space<vmem>>
    %dma_start3A_7 = tpu.memref_squeeze %dma_start3A_6 : memref<1x80x128xf32, #tpu.memory_space<vmem>> -> memref<80x128xf32, #tpu.memory_space<vmem>>
    %dma_start3A_8 = arith.constant 0 : i32
    %dma_start3A_9 = tpu.memref_slice %arg5[%dma_start3A_8] : memref<6400xi32, #tpu.memory_space<vmem>> -> memref<80xi32, #tpu.memory_space<vmem>>
    %dma_start3A_10 = arith.constant 0 : i32
    %dma_start3A_11 = arith.constant 0 : i32
    %dma_start3A_12 = tpu.memref_slice %arg3[%dma_start3A_10, %dma_start3A_11] : memref<100000x128xf32, #tpu.memory_space<hbm>> -> memref<100000x128xf32, #tpu.memory_space<hbm>>
    %dma_start3A_13 = tpu.memref_slice %arg7[%dma_start3A_3] : memref<10x!tpu.dma_semaphore, #tpu.memory_space<semaphore_mem>> -> memref<1x!tpu.dma_semaphore, #tpu.memory_space<semaphore_mem>>
    %dma_start3A_14 = tpu.memref_squeeze %dma_start3A_13 : memref<1x!tpu.dma_semaphore, #tpu.memory_space<semaphore_mem>> -> memref<!tpu.dma_semaphore, #tpu.memory_space<semaphore_mem>>
    tpu.enqueue_indirect_dma source(%dma_start3A_12 : memref<100000x128xf32, #tpu.memory_space<hbm>>) target(%dma_start3A_7 : memref<80x128xf32, #tpu.memory_space<vmem>>) offsets(%dma_start3A_9 : memref<80xi32, #tpu.memory_space<vmem>>) semaphore(%dma_start3A_14 : memref<!tpu.dma_semaphore, #tpu.memory_space<semaphore_mem>>)
    %dma_start3A_15 = arith.constant 1 : i32
    %dma_start3A_16 = arith.constant 1 : i32
    %dma_start3A_17 = arith.constant 0 : i32
    %dma_start3A_18 = arith.constant 0 : i32
    %dma_start3A_19 = tpu.memref_slice %arg6[%dma_start3A_15, %dma_start3A_17, %dma_start3A_18] : memref<10x80x128xf32, #tpu.memory_space<vmem>> -> memref<1x80x128xf32, #tpu.memory_space<vmem>>
    %dma_start3A_20 = tpu.memref_squeeze %dma_start3A_19 : memref<1x80x128xf32, #tpu.memory_space<vmem>> -> memref<80x128xf32, #tpu.memory_space<vmem>>
    %dma_start3A_21 = arith.constant 80 : i32
    %dma_start3A_22 = tpu.memref_slice %arg5[%dma_start3A_21] : memref<6400xi32, #tpu.memory_space<vmem>> -> memref<80xi32, #tpu.memory_space<vmem>>
    %dma_start3A_23 = arith.constant 0 : i32
    %dma_start3A_24 = arith.constant 0 : i32
    %dma_start3A_25 = tpu.memref_slice %arg3[%dma_start3A_23, %dma_start3A_24] : memref<100000x128xf32, #tpu.memory_space<hbm>> -> memref<100000x128xf32, #tpu.memory_space<hbm>>
    %dma_start3A_26 = tpu.memref_slice %arg7[%dma_start3A_16] : memref<10x!tpu.dma_semaphore, #tpu.memory_space<semaphore_mem>> -> memref<1x!tpu.dma_semaphore, #tpu.memory_space<semaphore_mem>>
    %dma_start3A_27 = tpu.memref_squeeze %dma_start3A_26 : memref<1x!tpu.dma_semaphore, #tpu.memory_space<semaphore_mem>> -> memref<!tpu.dma_semaphore, #tpu.memory_space<semaphore_mem>>
    tpu.enqueue_indirect_dma source(%dma_start3A_25 : memref<100000x128xf32, #tpu.memory_space<hbm>>) target(%dma_start3A_20 : memref<80x128xf32, #tpu.memory_space<vmem>>) offsets(%dma_start3A_22 : memref<80xi32, #tpu.memory_space<vmem>>) semaphore(%dma_start3A_27 : memref<!tpu.dma_semaphore, #tpu.memory_space<semaphore_mem>>)
    %dma_start3A_28 = arith.constant 2 : i32
    %dma_start3A_29 = arith.constant 2 : i32
    %dma_start3A_30 = arith.constant 0 : i32
    %dma_start3A_31 = arith.constant 0 : i32
    %dma_start3A_32 = tpu.memref_slice %arg6[%dma_start3A_28, %dma_start3A_30, %dma_start3A_31] : memref<10x80x128xf32, #tpu.memory_space<vmem>> -> memref<1x80x128xf32, #tpu.memory_space<vmem>>
    %dma_start3A_33 = tpu.memref_squeeze %dma_start3A_32 : memref<1x80x128xf32, #tpu.memory_space<vmem>> -> memref<80x128xf32, #tpu.memory_space<vmem>>
    %dma_start3A_34 = arith.constant 160 : i32
    %dma_start3A_35 = tpu.memref_slice %arg5[%dma_start3A_34] : memref<6400xi32, #tpu.memory_space<vmem>> -> memref<80xi32, #tpu.memory_space<vmem>>
    %dma_start3A_36 = arith.constant 0 : i32
    %dma_start3A_37 = arith.constant 0 : i32
    %dma_start3A_38 = tpu.memref_slice %arg3[%dma_start3A_36, %dma_start3A_37] : memref<100000x128xf32, #tpu.memory_space<hbm>> -> memref<100000x128xf32, #tpu.memory_space<hbm>>
    %dma_start3A_39 = tpu.memref_slice %arg7[%dma_start3A_29] : memref<10x!tpu.dma_semaphore, #tpu.memory_space<semaphore_mem>> -> memref<1x!tpu.dma_semaphore, #tpu.memory_space<semaphore_mem>>
    %dma_start3A_40 = tpu.memref_squeeze %dma_start3A_39 : memref<1x!tpu.dma_semaphore, #tpu.memory_space<semaphore_mem>> -> memref<!tpu.dma_semaphore, #tpu.memory_space<semaphore_mem>>
    tpu.enqueue_indirect_dma source(%dma_start3A_38 : memref<100000x128xf32, #tpu.memory_space<hbm>>) target(%dma_start3A_33 : memref<80x128xf32, #tpu.memory_space<vmem>>) offsets(%dma_start3A_35 : memref<80xi32, #tpu.memory_space<vmem>>) semaphore(%dma_start3A_40 : memref<!tpu.dma_semaphore, #tpu.memory_space<semaphore_mem>>)
    %dma_start3A_41 = arith.constant 3 : i32
    %dma_start3A_42 = arith.constant 3 : i32
    %dma_start3A_43 = arith.constant 0 : i32
    %dma_start3A_44 = arith.constant 0 : i32
    %dma_start3A_45 = tpu.memref_slice %arg6[%dma_start3A_41, %dma_start3A_43, %dma_start3A_44] : memref<10x80x128xf32, #tpu.memory_space<vmem>> -> memref<1x80x128xf32, #tpu.memory_space<vmem>>
    %dma_start3A_46 = tpu.memref_squeeze %dma_start3A_45 : memref<1x80x128xf32, #tpu.memory_space<vmem>> -> memref<80x128xf32, #tpu.memory_space<vmem>>
    %dma_start3A_47 = arith.constant 240 : i32
    %dma_start3A_48 = tpu.memref_slice %arg5[%dma_start3A_47] : memref<6400xi32, #tpu.memory_space<vmem>> -> memref<80xi32, #tpu.memory_space<vmem>>
    %dma_start3A_49 = arith.constant 0 : i32
    %dma_start3A_50 = arith.constant 0 : i32
    %dma_start3A_51 = tpu.memref_slice %arg3[%dma_start3A_49, %dma_start3A_50] : memref<100000x128xf32, #tpu.memory_space<hbm>> -> memref<100000x128xf32, #tpu.memory_space<hbm>>
    %dma_start3A_52 = tpu.memref_slice %arg7[%dma_start3A_42] : memref<10x!tpu.dma_semaphore, #tpu.memory_space<semaphore_mem>> -> memref<1x!tpu.dma_semaphore, #tpu.memory_space<semaphore_mem>>
    %dma_start3A_53 = tpu.memref_squeeze %dma_start3A_52 : memref<1x!tpu.dma_semaphore, #tpu.memory_space<semaphore_mem>> -> memref<!tpu.dma_semaphore, #tpu.memory_space<semaphore_mem>>
    tpu.enqueue_indirect_dma source(%dma_start3A_51 : memref<100000x128xf32, #tpu.memory_space<hbm>>) target(%dma_start3A_46 : memref<80x128xf32, #tpu.memory_space<vmem>>) offsets(%dma_start3A_48 : memref<80xi32, #tpu.memory_space<vmem>>) semaphore(%dma_start3A_53 : memref<!tpu.dma_semaphore, #tpu.memory_space<semaphore_mem>>)
    %dma_start3A_54 = arith.constant 4 : i32
    %dma_start3A_55 = arith.constant 4 : i32
    %dma_start3A_56 = arith.constant 0 : i32
    %dma_start3A_57 = arith.constant 0 : i32
    %dma_start3A_58 = tpu.memref_slice %arg6[%dma_start3A_54, %dma_start3A_56, %dma_start3A_57] : memref<10x80x128xf32, #tpu.memory_space<vmem>> -> memref<1x80x128xf32, #tpu.memory_space<vmem>>
    %dma_start3A_59 = tpu.memref_squeeze %dma_start3A_58 : memref<1x80x128xf32, #tpu.memory_space<vmem>> -> memref<80x128xf32, #tpu.memory_space<vmem>>
    %dma_start3A_60 = arith.constant 320 : i32
    %dma_start3A_61 = tpu.memref_slice %arg5[%dma_start3A_60] : memref<6400xi32, #tpu.memory_space<vmem>> -> memref<80xi32, #tpu.memory_space<vmem>>
    %dma_start3A_62 = arith.constant 0 : i32
    %dma_start3A_63 = arith.constant 0 : i32
    %dma_start3A_64 = tpu.memref_slice %arg3[%dma_start3A_62, %dma_start3A_63] : memref<100000x128xf32, #tpu.memory_space<hbm>> -> memref<100000x128xf32, #tpu.memory_space<hbm>>
    %dma_start3A_65 = tpu.memref_slice %arg7[%dma_start3A_55] : memref<10x!tpu.dma_semaphore, #tpu.memory_space<semaphore_mem>> -> memref<1x!tpu.dma_semaphore, #tpu.memory_space<semaphore_mem>>
    %dma_start3A_66 = tpu.memref_squeeze %dma_start3A_65 : memref<1x!tpu.dma_semaphore, #tpu.memory_space<semaphore_mem>> -> memref<!tpu.dma_semaphore, #tpu.memory_space<semaphore_mem>>
    tpu.enqueue_indirect_dma source(%dma_start3A_64 : memref<100000x128xf32, #tpu.memory_space<hbm>>) target(%dma_start3A_59 : memref<80x128xf32, #tpu.memory_space<vmem>>) offsets(%dma_start3A_61 : memref<80xi32, #tpu.memory_space<vmem>>) semaphore(%dma_start3A_66 : memref<!tpu.dma_semaphore, #tpu.memory_space<semaphore_mem>>)
    %dma_start3A_67 = arith.constant 5 : i32
    %dma_start3A_68 = arith.constant 5 : i32
    %dma_start3A_69 = arith.constant 0 : i32
    %dma_start3A_70 = arith.constant 0 : i32
    %dma_start3A_71 = tpu.memref_slice %arg6[%dma_start3A_67, %dma_start3A_69, %dma_start3A_70] : memref<10x80x128xf32, #tpu.memory_space<vmem>> -> memref<1x80x128xf32, #tpu.memory_space<vmem>>
    %dma_start3A_72 = tpu.memref_squeeze %dma_start3A_71 : memref<1x80x128xf32, #tpu.memory_space<vmem>> -> memref<80x128xf32, #tpu.memory_space<vmem>>
    %dma_start3A_73 = arith.constant 400 : i32
    %dma_start3A_74 = tpu.memref_slice %arg5[%dma_start3A_73] : memref<6400xi32, #tpu.memory_space<vmem>> -> memref<80xi32, #tpu.memory_space<vmem>>
    %dma_start3A_75 = arith.constant 0 : i32
    %dma_start3A_76 = arith.constant 0 : i32
    %dma_start3A_77 = tpu.memref_slice %arg3[%dma_start3A_75, %dma_start3A_76] : memref<100000x128xf32, #tpu.memory_space<hbm>> -> memref<100000x128xf32, #tpu.memory_space<hbm>>
    %dma_start3A_78 = tpu.memref_slice %arg7[%dma_start3A_68] : memref<10x!tpu.dma_semaphore, #tpu.memory_space<semaphore_mem>> -> memref<1x!tpu.dma_semaphore, #tpu.memory_space<semaphore_mem>>
    %dma_start3A_79 = tpu.memref_squeeze %dma_start3A_78 : memref<1x!tpu.dma_semaphore, #tpu.memory_space<semaphore_mem>> -> memref<!tpu.dma_semaphore, #tpu.memory_space<semaphore_mem>>
    tpu.enqueue_indirect_dma source(%dma_start3A_77 : memref<100000x128xf32, #tpu.memory_space<hbm>>) target(%dma_start3A_72 : memref<80x128xf32, #tpu.memory_space<vmem>>) offsets(%dma_start3A_74 : memref<80xi32, #tpu.memory_space<vmem>>) semaphore(%dma_start3A_79 : memref<!tpu.dma_semaphore, #tpu.memory_space<semaphore_mem>>)
    %dma_start3A_80 = arith.constant 6 : i32
    %dma_start3A_81 = arith.constant 6 : i32
    %dma_start3A_82 = arith.constant 0 : i32
    %dma_start3A_83 = arith.constant 0 : i32
    %dma_start3A_84 = tpu.memref_slice %arg6[%dma_start3A_80, %dma_start3A_82, %dma_start3A_83] : memref<10x80x128xf32, #tpu.memory_space<vmem>> -> memref<1x80x128xf32, #tpu.memory_space<vmem>>
    %dma_start3A_85 = tpu.memref_squeeze %dma_start3A_84 : memref<1x80x128xf32, #tpu.memory_space<vmem>> -> memref<80x128xf32, #tpu.memory_space<vmem>>
    %dma_start3A_86 = arith.constant 480 : i32
    %dma_start3A_87 = tpu.memref_slice %arg5[%dma_start3A_86] : memref<6400xi32, #tpu.memory_space<vmem>> -> memref<80xi32, #tpu.memory_space<vmem>>
    %dma_start3A_88 = arith.constant 0 : i32
    %dma_start3A_89 = arith.constant 0 : i32
    %dma_start3A_90 = tpu.memref_slice %arg3[%dma_start3A_88, %dma_start3A_89] : memref<100000x128xf32, #tpu.memory_space<hbm>> -> memref<100000x128xf32, #tpu.memory_space<hbm>>
    %dma_start3A_91 = tpu.memref_slice %arg7[%dma_start3A_81] : memref<10x!tpu.dma_semaphore, #tpu.memory_space<semaphore_mem>> -> memref<1x!tpu.dma_semaphore, #tpu.memory_space<semaphore_mem>>
    %dma_start3A_92 = tpu.memref_squeeze %dma_start3A_91 : memref<1x!tpu.dma_semaphore, #tpu.memory_space<semaphore_mem>> -> memref<!tpu.dma_semaphore, #tpu.memory_space<semaphore_mem>>
    tpu.enqueue_indirect_dma source(%dma_start3A_90 : memref<100000x128xf32, #tpu.memory_space<hbm>>) target(%dma_start3A_85 : memref<80x128xf32, #tpu.memory_space<vmem>>) offsets(%dma_start3A_87 : memref<80xi32, #tpu.memory_space<vmem>>) semaphore(%dma_start3A_92 : memref<!tpu.dma_semaphore, #tpu.memory_space<semaphore_mem>>)
    %scan3A = arith.constant 0 : i32
    %scan3A_93 = arith.constant 0 : i32
    %scan3A_94 = arith.constant 8 : i32
    %scan3A_95 = arith.addi %scan3A_93, %scan3A_94 : i32
    %scan3A_96 = arith.constant 1 : i32
    scf.for %scan3A_277 = %scan3A_93 to %scan3A_95 step %scan3A_96  : i32 {
      %mul3A_278 = arith.constant 10 : i32
      %mul3A_279 = arith.muli %scan3A_277, %mul3A_278 : i32
      %add3A_280 = arith.constant 0 : i32
      %add3A_281 = arith.addi %mul3A_279, %add3A_280 : i32
      %mul3A_282 = arith.constant 80 : i32
      %mul3A_283 = arith.muli %add3A_281, %mul3A_282 : i32
      %dma_wait3A_284 = arith.constant 0 : i32
      %dma_wait3A_285 = arith.constant 0 : i32
      %dma_wait3A_286 = arith.constant 0 : i32
      %dma_wait3A_287 = arith.constant 0 : i32
      %dma_wait3A_288 = tpu.memref_slice %arg6[%dma_wait3A_284, %dma_wait3A_286, %dma_wait3A_287] : memref<10x80x128xf32, #tpu.memory_space<vmem>> -> memref<1x80x128xf32, #tpu.memory_space<vmem>>
      %dma_wait3A_289 = tpu.memref_squeeze %dma_wait3A_288 : memref<1x80x128xf32, #tpu.memory_space<vmem>> -> memref<80x128xf32, #tpu.memory_space<vmem>>
      %dma_wait3A_290 = tpu.memref_slice %arg5[%mul3A_283] : memref<6400xi32, #tpu.memory_space<vmem>> -> memref<80xi32, #tpu.memory_space<vmem>>
      %dma_wait3A_291 = arith.constant 0 : i32
      %dma_wait3A_292 = arith.constant 0 : i32
      %dma_wait3A_293 = tpu.memref_slice %arg3[%dma_wait3A_291, %dma_wait3A_292] : memref<100000x128xf32, #tpu.memory_space<hbm>> -> memref<100000x128xf32, #tpu.memory_space<hbm>>
      %dma_wait3A_294 = tpu.memref_slice %arg7[%dma_wait3A_285] : memref<10x!tpu.dma_semaphore, #tpu.memory_space<semaphore_mem>> -> memref<1x!tpu.dma_semaphore, #tpu.memory_space<semaphore_mem>>
      %dma_wait3A_295 = tpu.memref_squeeze %dma_wait3A_294 : memref<1x!tpu.dma_semaphore, #tpu.memory_space<semaphore_mem>> -> memref<!tpu.dma_semaphore, #tpu.memory_space<semaphore_mem>>
      tpu.wait_indirect_dma semaphore(%dma_wait3A_295 : memref<!tpu.dma_semaphore, #tpu.memory_space<semaphore_mem>>) src(%dma_wait3A_293 : memref<100000x128xf32, #tpu.memory_space<hbm>>) dst(%dma_wait3A_289 : memref<80x128xf32, #tpu.memory_space<vmem>>)
      %mul3A_296 = arith.constant 80 : i32
      %mul3A_297 = arith.muli %add3A_281, %mul3A_296 : i32
      %add3A_298 = arith.addi %mul3A_2, %mul3A_297 : i32
      %dma_start3A_299 = arith.constant 0 : i32
      %dma_start3A_300 = arith.constant 0 : i32
      %dma_start3A_301 = arith.constant 0 : i32
      %dma_start3A_302 = arith.constant 0 : i32
      %dma_start3A_303 = tpu.memref_slice %arg6[%dma_start3A_299, %dma_start3A_301, %dma_start3A_302] : memref<10x80x128xf32, #tpu.memory_space<vmem>> -> memref<1x80x128xf32, #tpu.memory_space<vmem>>
      %dma_start3A_304 = tpu.memref_squeeze %dma_start3A_303 : memref<1x80x128xf32, #tpu.memory_space<vmem>> -> memref<80x128xf32, #tpu.memory_space<vmem>>
      %dma_start3A_305 = arith.constant 0 : i32
      %dma_start3A_306 = tpu.memref_slice %arg4[%add3A_298, %dma_start3A_305] : memref<204800x128xf32, #tpu.memory_space<hbm>> -> memref<80x128xf32, #tpu.memory_space<hbm>>
      %dma_start3A_307 = tpu.memref_slice %arg8[%dma_start3A_300] : memref<10x!tpu.dma_semaphore, #tpu.memory_space<semaphore_mem>> -> memref<1x!tpu.dma_semaphore, #tpu.memory_space<semaphore_mem>>
      %dma_start3A_308 = tpu.memref_squeeze %dma_start3A_307 : memref<1x!tpu.dma_semaphore, #tpu.memory_space<semaphore_mem>> -> memref<!tpu.dma_semaphore, #tpu.memory_space<semaphore_mem>>
      %dma_start3A_309 = arith.constant 0 : i32
      %dma_start3A_310 = tpu.memref_slice %arg4[%add3A_298, %dma_start3A_309] : memref<204800x128xf32, #tpu.memory_space<hbm>> -> memref<80x128xf32, #tpu.memory_space<hbm>>
      %dma_start3A_311 = arith.constant 0 : i32
      %dma_start3A_312 = arith.constant 0 : i32
      %dma_start3A_313 = tpu.memref_slice %arg6[%dma_start3A_299, %dma_start3A_311, %dma_start3A_312] : memref<10x80x128xf32, #tpu.memory_space<vmem>> -> memref<1x80x128xf32, #tpu.memory_space<vmem>>
      %dma_start3A_314 = tpu.memref_squeeze %dma_start3A_313 : memref<1x80x128xf32, #tpu.memory_space<vmem>> -> memref<80x128xf32, #tpu.memory_space<vmem>>
      tpu.enqueue_dma source(%dma_start3A_314 : memref<80x128xf32, #tpu.memory_space<vmem>>) target(%dma_start3A_310 : memref<80x128xf32, #tpu.memory_space<hbm>>) target_semaphore(%dma_start3A_308 : memref<!tpu.dma_semaphore, #tpu.memory_space<semaphore_mem>>)
      %add3A_315 = arith.constant 7 : i32
      %add3A_316 = arith.addi %add3A_281, %add3A_315 : i32
      %lt3A = arith.constant 80 : i32
      %lt3A_317 = arith.cmpi slt, %add3A_316, %lt3A : i32
      %convert_element_type3A = arith.extui %lt3A_317 : i1 to i32
      %cond3A = arith.constant 0 : i32
      %cond3A_318 = arith.cmpi ne, %convert_element_type3A, %cond3A : i32
      scf.if %cond3A_318 {
        %ge3A = arith.constant 10 : i32
        %ge3A_715 = arith.cmpi sge, %add3A_316, %ge3A : i32
        %convert_element_type3A_716 = arith.extui %ge3A_715 : i1 to i32
        %cond3A_717 = arith.constant 0 : i32
        %cond3A_718 = arith.cmpi ne, %convert_element_type3A_716, %cond3A_717 : i32
        scf.if %cond3A_718 {
          %sub3A = arith.constant 10 : i32
          %sub3A_733 = arith.subi %add3A_316, %sub3A : i32
          %mul3A_734 = arith.constant 80 : i32
          %mul3A_735 = arith.muli %sub3A_733, %mul3A_734 : i32
          %add3A_736 = arith.addi %mul3A_2, %mul3A_735 : i32
          %dma_wait3A_737 = arith.constant 7 : i32
          %dma_wait3A_738 = arith.constant 7 : i32
          %dma_wait3A_739 = arith.constant 0 : i32
          %dma_wait3A_740 = arith.constant 0 : i32
          %dma_wait3A_741 = tpu.memref_slice %arg6[%dma_wait3A_737, %dma_wait3A_739, %dma_wait3A_740] : memref<10x80x128xf32, #tpu.memory_space<vmem>> -> memref<1x80x128xf32, #tpu.memory_space<vmem>>
          %dma_wait3A_742 = tpu.memref_squeeze %dma_wait3A_741 : memref<1x80x128xf32, #tpu.memory_space<vmem>> -> memref<80x128xf32, #tpu.memory_space<vmem>>
          %dma_wait3A_743 = arith.constant 0 : i32
          %dma_wait3A_744 = tpu.memref_slice %arg4[%add3A_736, %dma_wait3A_743] : memref<204800x128xf32, #tpu.memory_space<hbm>> -> memref<80x128xf32, #tpu.memory_space<hbm>>
          %dma_wait3A_745 = tpu.memref_slice %arg8[%dma_wait3A_738] : memref<10x!tpu.dma_semaphore, #tpu.memory_space<semaphore_mem>> -> memref<1x!tpu.dma_semaphore, #tpu.memory_space<semaphore_mem>>
          %dma_wait3A_746 = tpu.memref_squeeze %dma_wait3A_745 : memref<1x!tpu.dma_semaphore, #tpu.memory_space<semaphore_mem>> -> memref<!tpu.dma_semaphore, #tpu.memory_space<semaphore_mem>>
          %dma_wait3A_747 = arith.constant 0 : i32
          %dma_wait3A_748 = tpu.memref_slice %arg4[%add3A_736, %dma_wait3A_747] : memref<204800x128xf32, #tpu.memory_space<hbm>> -> memref<80x128xf32, #tpu.memory_space<hbm>>
          %dma_wait3A_749 = arith.constant 0 : i32
          %dma_wait3A_750 = arith.constant 0 : i32
          %dma_wait3A_751 = tpu.memref_slice %arg6[%dma_wait3A_737, %dma_wait3A_749, %dma_wait3A_750] : memref<10x80x128xf32, #tpu.memory_space<vmem>> -> memref<1x80x128xf32, #tpu.memory_space<vmem>>
          %dma_wait3A_752 = tpu.memref_squeeze %dma_wait3A_751 : memref<1x80x128xf32, #tpu.memory_space<vmem>> -> memref<80x128xf32, #tpu.memory_space<vmem>>
          tpu.wait_dma2 semaphore(%dma_wait3A_746 : memref<!tpu.dma_semaphore, #tpu.memory_space<semaphore_mem>>) src(%dma_wait3A_752 : memref<80x128xf32, #tpu.memory_space<vmem>>) dst(%dma_wait3A_748 : memref<80x128xf32, #tpu.memory_space<hbm>>)
        } else {
        }
        %mul3A_719 = arith.constant 80 : i32
        %mul3A_720 = arith.muli %add3A_316, %mul3A_719 : i32
        %dma_start3A_721 = arith.constant 7 : i32
        %dma_start3A_722 = arith.constant 7 : i32
        %dma_start3A_723 = arith.constant 0 : i32
        %dma_start3A_724 = arith.constant 0 : i32
        %dma_start3A_725 = tpu.memref_slice %arg6[%dma_start3A_721, %dma_start3A_723, %dma_start3A_724] : memref<10x80x128xf32, #tpu.memory_space<vmem>> -> memref<1x80x128xf32, #tpu.memory_space<vmem>>
        %dma_start3A_726 = tpu.memref_squeeze %dma_start3A_725 : memref<1x80x128xf32, #tpu.memory_space<vmem>> -> memref<80x128xf32, #tpu.memory_space<vmem>>
        %dma_start3A_727 = tpu.memref_slice %arg5[%mul3A_720] : memref<6400xi32, #tpu.memory_space<vmem>> -> memref<80xi32, #tpu.memory_space<vmem>>
        %dma_start3A_728 = arith.constant 0 : i32
        %dma_start3A_729 = arith.constant 0 : i32
        %dma_start3A_730 = tpu.memref_slice %arg3[%dma_start3A_728, %dma_start3A_729] : memref<100000x128xf32, #tpu.memory_space<hbm>> -> memref<100000x128xf32, #tpu.memory_space<hbm>>
        %dma_start3A_731 = tpu.memref_slice %arg7[%dma_start3A_722] : memref<10x!tpu.dma_semaphore, #tpu.memory_space<semaphore_mem>> -> memref<1x!tpu.dma_semaphore, #tpu.memory_space<semaphore_mem>>
        %dma_start3A_732 = tpu.memref_squeeze %dma_start3A_731 : memref<1x!tpu.dma_semaphore, #tpu.memory_space<semaphore_mem>> -> memref<!tpu.dma_semaphore, #tpu.memory_space<semaphore_mem>>
        tpu.enqueue_indirect_dma source(%dma_start3A_730 : memref<100000x128xf32, #tpu.memory_space<hbm>>) target(%dma_start3A_726 : memref<80x128xf32, #tpu.memory_space<vmem>>) offsets(%dma_start3A_727 : memref<80xi32, #tpu.memory_space<vmem>>) semaphore(%dma_start3A_732 : memref<!tpu.dma_semaphore, #tpu.memory_space<semaphore_mem>>)
      } else {
      }
      %mul3A_319 = arith.constant 10 : i32
      %mul3A_320 = arith.muli %scan3A_277, %mul3A_319 : i32
      %add3A_321 = arith.constant 1 : i32
      %add3A_322 = arith.addi %mul3A_320, %add3A_321 : i32
      %mul3A_323 = arith.constant 80 : i32
      %mul3A_324 = arith.muli %add3A_322, %mul3A_323 : i32
      %dma_wait3A_325 = arith.constant 1 : i32
      %dma_wait3A_326 = arith.constant 1 : i32
      %dma_wait3A_327 = arith.constant 0 : i32
      %dma_wait3A_328 = arith.constant 0 : i32
      %dma_wait3A_329 = tpu.memref_slice %arg6[%dma_wait3A_325, %dma_wait3A_327, %dma_wait3A_328] : memref<10x80x128xf32, #tpu.memory_space<vmem>> -> memref<1x80x128xf32, #tpu.memory_space<vmem>>
      %dma_wait3A_330 = tpu.memref_squeeze %dma_wait3A_329 : memref<1x80x128xf32, #tpu.memory_space<vmem>> -> memref<80x128xf32, #tpu.memory_space<vmem>>
      %dma_wait3A_331 = tpu.memref_slice %arg5[%mul3A_324] : memref<6400xi32, #tpu.memory_space<vmem>> -> memref<80xi32, #tpu.memory_space<vmem>>
      %dma_wait3A_332 = arith.constant 0 : i32
      %dma_wait3A_333 = arith.constant 0 : i32
      %dma_wait3A_334 = tpu.memref_slice %arg3[%dma_wait3A_332, %dma_wait3A_333] : memref<100000x128xf32, #tpu.memory_space<hbm>> -> memref<100000x128xf32, #tpu.memory_space<hbm>>
      %dma_wait3A_335 = tpu.memref_slice %arg7[%dma_wait3A_326] : memref<10x!tpu.dma_semaphore, #tpu.memory_space<semaphore_mem>> -> memref<1x!tpu.dma_semaphore, #tpu.memory_space<semaphore_mem>>
      %dma_wait3A_336 = tpu.memref_squeeze %dma_wait3A_335 : memref<1x!tpu.dma_semaphore, #tpu.memory_space<semaphore_mem>> -> memref<!tpu.dma_semaphore, #tpu.memory_space<semaphore_mem>>
      tpu.wait_indirect_dma semaphore(%dma_wait3A_336 : memref<!tpu.dma_semaphore, #tpu.memory_space<semaphore_mem>>) src(%dma_wait3A_334 : memref<100000x128xf32, #tpu.memory_space<hbm>>) dst(%dma_wait3A_330 : memref<80x128xf32, #tpu.memory_space<vmem>>)
      %mul3A_337 = arith.constant 80 : i32
      %mul3A_338 = arith.muli %add3A_322, %mul3A_337 : i32
      %add3A_339 = arith.addi %mul3A_2, %mul3A_338 : i32
      %dma_start3A_340 = arith.constant 1 : i32
      %dma_start3A_341 = arith.constant 1 : i32
      %dma_start3A_342 = arith.constant 0 : i32
      %dma_start3A_343 = arith.constant 0 : i32
      %dma_start3A_344 = tpu.memref_slice %arg6[%dma_start3A_340, %dma_start3A_342, %dma_start3A_343] : memref<10x80x128xf32, #tpu.memory_space<vmem>> -> memref<1x80x128xf32, #tpu.memory_space<vmem>>
      %dma_start3A_345 = tpu.memref_squeeze %dma_start3A_344 : memref<1x80x128xf32, #tpu.memory_space<vmem>> -> memref<80x128xf32, #tpu.memory_space<vmem>>
      %dma_start3A_346 = arith.constant 0 : i32
      %dma_start3A_347 = tpu.memref_slice %arg4[%add3A_339, %dma_start3A_346] : memref<204800x128xf32, #tpu.memory_space<hbm>> -> memref<80x128xf32, #tpu.memory_space<hbm>>
      %dma_start3A_348 = tpu.memref_slice %arg8[%dma_start3A_341] : memref<10x!tpu.dma_semaphore, #tpu.memory_space<semaphore_mem>> -> memref<1x!tpu.dma_semaphore, #tpu.memory_space<semaphore_mem>>
      %dma_start3A_349 = tpu.memref_squeeze %dma_start3A_348 : memref<1x!tpu.dma_semaphore, #tpu.memory_space<semaphore_mem>> -> memref<!tpu.dma_semaphore, #tpu.memory_space<semaphore_mem>>
      %dma_start3A_350 = arith.constant 0 : i32
      %dma_start3A_351 = tpu.memref_slice %arg4[%add3A_339, %dma_start3A_350] : memref<204800x128xf32, #tpu.memory_space<hbm>> -> memref<80x128xf32, #tpu.memory_space<hbm>>
      %dma_start3A_352 = arith.constant 0 : i32
      %dma_start3A_353 = arith.constant 0 : i32
      %dma_start3A_354 = tpu.memref_slice %arg6[%dma_start3A_340, %dma_start3A_352, %dma_start3A_353] : memref<10x80x128xf32, #tpu.memory_space<vmem>> -> memref<1x80x128xf32, #tpu.memory_space<vmem>>
      %dma_start3A_355 = tpu.memref_squeeze %dma_start3A_354 : memref<1x80x128xf32, #tpu.memory_space<vmem>> -> memref<80x128xf32, #tpu.memory_space<vmem>>
      tpu.enqueue_dma source(%dma_start3A_355 : memref<80x128xf32, #tpu.memory_space<vmem>>) target(%dma_start3A_351 : memref<80x128xf32, #tpu.memory_space<hbm>>) target_semaphore(%dma_start3A_349 : memref<!tpu.dma_semaphore, #tpu.memory_space<semaphore_mem>>)
      %add3A_356 = arith.constant 7 : i32
      %add3A_357 = arith.addi %add3A_322, %add3A_356 : i32
      %lt3A_358 = arith.constant 80 : i32
      %lt3A_359 = arith.cmpi slt, %add3A_357, %lt3A_358 : i32
      %convert_element_type3A_360 = arith.extui %lt3A_359 : i1 to i32
      %cond3A_361 = arith.constant 0 : i32
      %cond3A_362 = arith.cmpi ne, %convert_element_type3A_360, %cond3A_361 : i32
      scf.if %cond3A_362 {
        %ge3A = arith.constant 10 : i32
        %ge3A_715 = arith.cmpi sge, %add3A_357, %ge3A : i32
        %convert_element_type3A_716 = arith.extui %ge3A_715 : i1 to i32
        %cond3A_717 = arith.constant 0 : i32
        %cond3A_718 = arith.cmpi ne, %convert_element_type3A_716, %cond3A_717 : i32
        scf.if %cond3A_718 {
          %sub3A = arith.constant 10 : i32
          %sub3A_733 = arith.subi %add3A_357, %sub3A : i32
          %mul3A_734 = arith.constant 80 : i32
          %mul3A_735 = arith.muli %sub3A_733, %mul3A_734 : i32
          %add3A_736 = arith.addi %mul3A_2, %mul3A_735 : i32
          %dma_wait3A_737 = arith.constant 8 : i32
          %dma_wait3A_738 = arith.constant 8 : i32
          %dma_wait3A_739 = arith.constant 0 : i32
          %dma_wait3A_740 = arith.constant 0 : i32
          %dma_wait3A_741 = tpu.memref_slice %arg6[%dma_wait3A_737, %dma_wait3A_739, %dma_wait3A_740] : memref<10x80x128xf32, #tpu.memory_space<vmem>> -> memref<1x80x128xf32, #tpu.memory_space<vmem>>
          %dma_wait3A_742 = tpu.memref_squeeze %dma_wait3A_741 : memref<1x80x128xf32, #tpu.memory_space<vmem>> -> memref<80x128xf32, #tpu.memory_space<vmem>>
          %dma_wait3A_743 = arith.constant 0 : i32
          %dma_wait3A_744 = tpu.memref_slice %arg4[%add3A_736, %dma_wait3A_743] : memref<204800x128xf32, #tpu.memory_space<hbm>> -> memref<80x128xf32, #tpu.memory_space<hbm>>
          %dma_wait3A_745 = tpu.memref_slice %arg8[%dma_wait3A_738] : memref<10x!tpu.dma_semaphore, #tpu.memory_space<semaphore_mem>> -> memref<1x!tpu.dma_semaphore, #tpu.memory_space<semaphore_mem>>
          %dma_wait3A_746 = tpu.memref_squeeze %dma_wait3A_745 : memref<1x!tpu.dma_semaphore, #tpu.memory_space<semaphore_mem>> -> memref<!tpu.dma_semaphore, #tpu.memory_space<semaphore_mem>>
          %dma_wait3A_747 = arith.constant 0 : i32
          %dma_wait3A_748 = tpu.memref_slice %arg4[%add3A_736, %dma_wait3A_747] : memref<204800x128xf32, #tpu.memory_space<hbm>> -> memref<80x128xf32, #tpu.memory_space<hbm>>
          %dma_wait3A_749 = arith.constant 0 : i32
          %dma_wait3A_750 = arith.constant 0 : i32
          %dma_wait3A_751 = tpu.memref_slice %arg6[%dma_wait3A_737, %dma_wait3A_749, %dma_wait3A_750] : memref<10x80x128xf32, #tpu.memory_space<vmem>> -> memref<1x80x128xf32, #tpu.memory_space<vmem>>
          %dma_wait3A_752 = tpu.memref_squeeze %dma_wait3A_751 : memref<1x80x128xf32, #tpu.memory_space<vmem>> -> memref<80x128xf32, #tpu.memory_space<vmem>>
          tpu.wait_dma2 semaphore(%dma_wait3A_746 : memref<!tpu.dma_semaphore, #tpu.memory_space<semaphore_mem>>) src(%dma_wait3A_752 : memref<80x128xf32, #tpu.memory_space<vmem>>) dst(%dma_wait3A_748 : memref<80x128xf32, #tpu.memory_space<hbm>>)
        } else {
        }
        %mul3A_719 = arith.constant 80 : i32
        %mul3A_720 = arith.muli %add3A_357, %mul3A_719 : i32
        %dma_start3A_721 = arith.constant 8 : i32
        %dma_start3A_722 = arith.constant 8 : i32
        %dma_start3A_723 = arith.constant 0 : i32
        %dma_start3A_724 = arith.constant 0 : i32
        %dma_start3A_725 = tpu.memref_slice %arg6[%dma_start3A_721, %dma_start3A_723, %dma_start3A_724] : memref<10x80x128xf32, #tpu.memory_space<vmem>> -> memref<1x80x128xf32, #tpu.memory_space<vmem>>
        %dma_start3A_726 = tpu.memref_squeeze %dma_start3A_725 : memref<1x80x128xf32, #tpu.memory_space<vmem>> -> memref<80x128xf32, #tpu.memory_space<vmem>>
        %dma_start3A_727 = tpu.memref_slice %arg5[%mul3A_720] : memref<6400xi32, #tpu.memory_space<vmem>> -> memref<80xi32, #tpu.memory_space<vmem>>
        %dma_start3A_728 = arith.constant 0 : i32
        %dma_start3A_729 = arith.constant 0 : i32
        %dma_start3A_730 = tpu.memref_slice %arg3[%dma_start3A_728, %dma_start3A_729] : memref<100000x128xf32, #tpu.memory_space<hbm>> -> memref<100000x128xf32, #tpu.memory_space<hbm>>
        %dma_start3A_731 = tpu.memref_slice %arg7[%dma_start3A_722] : memref<10x!tpu.dma_semaphore, #tpu.memory_space<semaphore_mem>> -> memref<1x!tpu.dma_semaphore, #tpu.memory_space<semaphore_mem>>
        %dma_start3A_732 = tpu.memref_squeeze %dma_start3A_731 : memref<1x!tpu.dma_semaphore, #tpu.memory_space<semaphore_mem>> -> memref<!tpu.dma_semaphore, #tpu.memory_space<semaphore_mem>>
        tpu.enqueue_indirect_dma source(%dma_start3A_730 : memref<100000x128xf32, #tpu.memory_space<hbm>>) target(%dma_start3A_726 : memref<80x128xf32, #tpu.memory_space<vmem>>) offsets(%dma_start3A_727 : memref<80xi32, #tpu.memory_space<vmem>>) semaphore(%dma_start3A_732 : memref<!tpu.dma_semaphore, #tpu.memory_space<semaphore_mem>>)
      } else {
      }
      %mul3A_363 = arith.constant 10 : i32
      %mul3A_364 = arith.muli %scan3A_277, %mul3A_363 : i32
      %add3A_365 = arith.constant 2 : i32
      %add3A_366 = arith.addi %mul3A_364, %add3A_365 : i32
      %mul3A_367 = arith.constant 80 : i32
      %mul3A_368 = arith.muli %add3A_366, %mul3A_367 : i32
      %dma_wait3A_369 = arith.constant 2 : i32
      %dma_wait3A_370 = arith.constant 2 : i32
      %dma_wait3A_371 = arith.constant 0 : i32
      %dma_wait3A_372 = arith.constant 0 : i32
      %dma_wait3A_373 = tpu.memref_slice %arg6[%dma_wait3A_369, %dma_wait3A_371, %dma_wait3A_372] : memref<10x80x128xf32, #tpu.memory_space<vmem>> -> memref<1x80x128xf32, #tpu.memory_space<vmem>>
      %dma_wait3A_374 = tpu.memref_squeeze %dma_wait3A_373 : memref<1x80x128xf32, #tpu.memory_space<vmem>> -> memref<80x128xf32, #tpu.memory_space<vmem>>
      %dma_wait3A_375 = tpu.memref_slice %arg5[%mul3A_368] : memref<6400xi32, #tpu.memory_space<vmem>> -> memref<80xi32, #tpu.memory_space<vmem>>
      %dma_wait3A_376 = arith.constant 0 : i32
      %dma_wait3A_377 = arith.constant 0 : i32
      %dma_wait3A_378 = tpu.memref_slice %arg3[%dma_wait3A_376, %dma_wait3A_377] : memref<100000x128xf32, #tpu.memory_space<hbm>> -> memref<100000x128xf32, #tpu.memory_space<hbm>>
      %dma_wait3A_379 = tpu.memref_slice %arg7[%dma_wait3A_370] : memref<10x!tpu.dma_semaphore, #tpu.memory_space<semaphore_mem>> -> memref<1x!tpu.dma_semaphore, #tpu.memory_space<semaphore_mem>>
      %dma_wait3A_380 = tpu.memref_squeeze %dma_wait3A_379 : memref<1x!tpu.dma_semaphore, #tpu.memory_space<semaphore_mem>> -> memref<!tpu.dma_semaphore, #tpu.memory_space<semaphore_mem>>
      tpu.wait_indirect_dma semaphore(%dma_wait3A_380 : memref<!tpu.dma_semaphore, #tpu.memory_space<semaphore_mem>>) src(%dma_wait3A_378 : memref<100000x128xf32, #tpu.memory_space<hbm>>) dst(%dma_wait3A_374 : memref<80x128xf32, #tpu.memory_space<vmem>>)
      %mul3A_381 = arith.constant 80 : i32
      %mul3A_382 = arith.muli %add3A_366, %mul3A_381 : i32
      %add3A_383 = arith.addi %mul3A_2, %mul3A_382 : i32
      %dma_start3A_384 = arith.constant 2 : i32
      %dma_start3A_385 = arith.constant 2 : i32
      %dma_start3A_386 = arith.constant 0 : i32
      %dma_start3A_387 = arith.constant 0 : i32
      %dma_start3A_388 = tpu.memref_slice %arg6[%dma_start3A_384, %dma_start3A_386, %dma_start3A_387] : memref<10x80x128xf32, #tpu.memory_space<vmem>> -> memref<1x80x128xf32, #tpu.memory_space<vmem>>
      %dma_start3A_389 = tpu.memref_squeeze %dma_start3A_388 : memref<1x80x128xf32, #tpu.memory_space<vmem>> -> memref<80x128xf32, #tpu.memory_space<vmem>>
      %dma_start3A_390 = arith.constant 0 : i32
      %dma_start3A_391 = tpu.memref_slice %arg4[%add3A_383, %dma_start3A_390] : memref<204800x128xf32, #tpu.memory_space<hbm>> -> memref<80x128xf32, #tpu.memory_space<hbm>>
      %dma_start3A_392 = tpu.memref_slice %arg8[%dma_start3A_385] : memref<10x!tpu.dma_semaphore, #tpu.memory_space<semaphore_mem>> -> memref<1x!tpu.dma_semaphore, #tpu.memory_space<semaphore_mem>>
      %dma_start3A_393 = tpu.memref_squeeze %dma_start3A_392 : memref<1x!tpu.dma_semaphore, #tpu.memory_space<semaphore_mem>> -> memref<!tpu.dma_semaphore, #tpu.memory_space<semaphore_mem>>
      %dma_start3A_394 = arith.constant 0 : i32
      %dma_start3A_395 = tpu.memref_slice %arg4[%add3A_383, %dma_start3A_394] : memref<204800x128xf32, #tpu.memory_space<hbm>> -> memref<80x128xf32, #tpu.memory_space<hbm>>
      %dma_start3A_396 = arith.constant 0 : i32
      %dma_start3A_397 = arith.constant 0 : i32
      %dma_start3A_398 = tpu.memref_slice %arg6[%dma_start3A_384, %dma_start3A_396, %dma_start3A_397] : memref<10x80x128xf32, #tpu.memory_space<vmem>> -> memref<1x80x128xf32, #tpu.memory_space<vmem>>
      %dma_start3A_399 = tpu.memref_squeeze %dma_start3A_398 : memref<1x80x128xf32, #tpu.memory_space<vmem>> -> memref<80x128xf32, #tpu.memory_space<vmem>>
      tpu.enqueue_dma source(%dma_start3A_399 : memref<80x128xf32, #tpu.memory_space<vmem>>) target(%dma_start3A_395 : memref<80x128xf32, #tpu.memory_space<hbm>>) target_semaphore(%dma_start3A_393 : memref<!tpu.dma_semaphore, #tpu.memory_space<semaphore_mem>>)
      %add3A_400 = arith.constant 7 : i32
      %add3A_401 = arith.addi %add3A_366, %add3A_400 : i32
      %lt3A_402 = arith.constant 80 : i32
      %lt3A_403 = arith.cmpi slt, %add3A_401, %lt3A_402 : i32
      %convert_element_type3A_404 = arith.extui %lt3A_403 : i1 to i32
      %cond3A_405 = arith.constant 0 : i32
      %cond3A_406 = arith.cmpi ne, %convert_element_type3A_404, %cond3A_405 : i32
      scf.if %cond3A_406 {
        %ge3A = arith.constant 10 : i32
        %ge3A_715 = arith.cmpi sge, %add3A_401, %ge3A : i32
        %convert_element_type3A_716 = arith.extui %ge3A_715 : i1 to i32
        %cond3A_717 = arith.constant 0 : i32
        %cond3A_718 = arith.cmpi ne, %convert_element_type3A_716, %cond3A_717 : i32
        scf.if %cond3A_718 {
          %sub3A = arith.constant 10 : i32
          %sub3A_733 = arith.subi %add3A_401, %sub3A : i32
          %mul3A_734 = arith.constant 80 : i32
          %mul3A_735 = arith.muli %sub3A_733, %mul3A_734 : i32
          %add3A_736 = arith.addi %mul3A_2, %mul3A_735 : i32
          %dma_wait3A_737 = arith.constant 9 : i32
          %dma_wait3A_738 = arith.constant 9 : i32
          %dma_wait3A_739 = arith.constant 0 : i32
          %dma_wait3A_740 = arith.constant 0 : i32
          %dma_wait3A_741 = tpu.memref_slice %arg6[%dma_wait3A_737, %dma_wait3A_739, %dma_wait3A_740] : memref<10x80x128xf32, #tpu.memory_space<vmem>> -> memref<1x80x128xf32, #tpu.memory_space<vmem>>
          %dma_wait3A_742 = tpu.memref_squeeze %dma_wait3A_741 : memref<1x80x128xf32, #tpu.memory_space<vmem>> -> memref<80x128xf32, #tpu.memory_space<vmem>>
          %dma_wait3A_743 = arith.constant 0 : i32
          %dma_wait3A_744 = tpu.memref_slice %arg4[%add3A_736, %dma_wait3A_743] : memref<204800x128xf32, #tpu.memory_space<hbm>> -> memref<80x128xf32, #tpu.memory_space<hbm>>
          %dma_wait3A_745 = tpu.memref_slice %arg8[%dma_wait3A_738] : memref<10x!tpu.dma_semaphore, #tpu.memory_space<semaphore_mem>> -> memref<1x!tpu.dma_semaphore, #tpu.memory_space<semaphore_mem>>
          %dma_wait3A_746 = tpu.memref_squeeze %dma_wait3A_745 : memref<1x!tpu.dma_semaphore, #tpu.memory_space<semaphore_mem>> -> memref<!tpu.dma_semaphore, #tpu.memory_space<semaphore_mem>>
          %dma_wait3A_747 = arith.constant 0 : i32
          %dma_wait3A_748 = tpu.memref_slice %arg4[%add3A_736, %dma_wait3A_747] : memref<204800x128xf32, #tpu.memory_space<hbm>> -> memref<80x128xf32, #tpu.memory_space<hbm>>
          %dma_wait3A_749 = arith.constant 0 : i32
          %dma_wait3A_750 = arith.constant 0 : i32
          %dma_wait3A_751 = tpu.memref_slice %arg6[%dma_wait3A_737, %dma_wait3A_749, %dma_wait3A_750] : memref<10x80x128xf32, #tpu.memory_space<vmem>> -> memref<1x80x128xf32, #tpu.memory_space<vmem>>
          %dma_wait3A_752 = tpu.memref_squeeze %dma_wait3A_751 : memref<1x80x128xf32, #tpu.memory_space<vmem>> -> memref<80x128xf32, #tpu.memory_space<vmem>>
          tpu.wait_dma2 semaphore(%dma_wait3A_746 : memref<!tpu.dma_semaphore, #tpu.memory_space<semaphore_mem>>) src(%dma_wait3A_752 : memref<80x128xf32, #tpu.memory_space<vmem>>) dst(%dma_wait3A_748 : memref<80x128xf32, #tpu.memory_space<hbm>>)
        } else {
        }
        %mul3A_719 = arith.constant 80 : i32
        %mul3A_720 = arith.muli %add3A_401, %mul3A_719 : i32
        %dma_start3A_721 = arith.constant 9 : i32
        %dma_start3A_722 = arith.constant 9 : i32
        %dma_start3A_723 = arith.constant 0 : i32
        %dma_start3A_724 = arith.constant 0 : i32
        %dma_start3A_725 = tpu.memref_slice %arg6[%dma_start3A_721, %dma_start3A_723, %dma_start3A_724] : memref<10x80x128xf32, #tpu.memory_space<vmem>> -> memref<1x80x128xf32, #tpu.memory_space<vmem>>
        %dma_start3A_726 = tpu.memref_squeeze %dma_start3A_725 : memref<1x80x128xf32, #tpu.memory_space<vmem>> -> memref<80x128xf32, #tpu.memory_space<vmem>>
        %dma_start3A_727 = tpu.memref_slice %arg5[%mul3A_720] : memref<6400xi32, #tpu.memory_space<vmem>> -> memref<80xi32, #tpu.memory_space<vmem>>
        %dma_start3A_728 = arith.constant 0 : i32
        %dma_start3A_729 = arith.constant 0 : i32
        %dma_start3A_730 = tpu.memref_slice %arg3[%dma_start3A_728, %dma_start3A_729] : memref<100000x128xf32, #tpu.memory_space<hbm>> -> memref<100000x128xf32, #tpu.memory_space<hbm>>
        %dma_start3A_731 = tpu.memref_slice %arg7[%dma_start3A_722] : memref<10x!tpu.dma_semaphore, #tpu.memory_space<semaphore_mem>> -> memref<1x!tpu.dma_semaphore, #tpu.memory_space<semaphore_mem>>
        %dma_start3A_732 = tpu.memref_squeeze %dma_start3A_731 : memref<1x!tpu.dma_semaphore, #tpu.memory_space<semaphore_mem>> -> memref<!tpu.dma_semaphore, #tpu.memory_space<semaphore_mem>>
        tpu.enqueue_indirect_dma source(%dma_start3A_730 : memref<100000x128xf32, #tpu.memory_space<hbm>>) target(%dma_start3A_726 : memref<80x128xf32, #tpu.memory_space<vmem>>) offsets(%dma_start3A_727 : memref<80xi32, #tpu.memory_space<vmem>>) semaphore(%dma_start3A_732 : memref<!tpu.dma_semaphore, #tpu.memory_space<semaphore_mem>>)
      } else {
      }
      %mul3A_407 = arith.constant 10 : i32
      %mul3A_408 = arith.muli %scan3A_277, %mul3A_407 : i32
      %add3A_409 = arith.constant 3 : i32
      %add3A_410 = arith.addi %mul3A_408, %add3A_409 : i32
      %mul3A_411 = arith.constant 80 : i32
      %mul3A_412 = arith.muli %add3A_410, %mul3A_411 : i32
      %dma_wait3A_413 = arith.constant 3 : i32
      %dma_wait3A_414 = arith.constant 3 : i32
      %dma_wait3A_415 = arith.constant 0 : i32
      %dma_wait3A_416 = arith.constant 0 : i32
      %dma_wait3A_417 = tpu.memref_slice %arg6[%dma_wait3A_413, %dma_wait3A_415, %dma_wait3A_416] : memref<10x80x128xf32, #tpu.memory_space<vmem>> -> memref<1x80x128xf32, #tpu.memory_space<vmem>>
      %dma_wait3A_418 = tpu.memref_squeeze %dma_wait3A_417 : memref<1x80x128xf32, #tpu.memory_space<vmem>> -> memref<80x128xf32, #tpu.memory_space<vmem>>
      %dma_wait3A_419 = tpu.memref_slice %arg5[%mul3A_412] : memref<6400xi32, #tpu.memory_space<vmem>> -> memref<80xi32, #tpu.memory_space<vmem>>
      %dma_wait3A_420 = arith.constant 0 : i32
      %dma_wait3A_421 = arith.constant 0 : i32
      %dma_wait3A_422 = tpu.memref_slice %arg3[%dma_wait3A_420, %dma_wait3A_421] : memref<100000x128xf32, #tpu.memory_space<hbm>> -> memref<100000x128xf32, #tpu.memory_space<hbm>>
      %dma_wait3A_423 = tpu.memref_slice %arg7[%dma_wait3A_414] : memref<10x!tpu.dma_semaphore, #tpu.memory_space<semaphore_mem>> -> memref<1x!tpu.dma_semaphore, #tpu.memory_space<semaphore_mem>>
      %dma_wait3A_424 = tpu.memref_squeeze %dma_wait3A_423 : memref<1x!tpu.dma_semaphore, #tpu.memory_space<semaphore_mem>> -> memref<!tpu.dma_semaphore, #tpu.memory_space<semaphore_mem>>
      tpu.wait_indirect_dma semaphore(%dma_wait3A_424 : memref<!tpu.dma_semaphore, #tpu.memory_space<semaphore_mem>>) src(%dma_wait3A_422 : memref<100000x128xf32, #tpu.memory_space<hbm>>) dst(%dma_wait3A_418 : memref<80x128xf32, #tpu.memory_space<vmem>>)
      %mul3A_425 = arith.constant 80 : i32
      %mul3A_426 = arith.muli %add3A_410, %mul3A_425 : i32
      %add3A_427 = arith.addi %mul3A_2, %mul3A_426 : i32
      %dma_start3A_428 = arith.constant 3 : i32
      %dma_start3A_429 = arith.constant 3 : i32
      %dma_start3A_430 = arith.constant 0 : i32
      %dma_start3A_431 = arith.constant 0 : i32
      %dma_start3A_432 = tpu.memref_slice %arg6[%dma_start3A_428, %dma_start3A_430, %dma_start3A_431] : memref<10x80x128xf32, #tpu.memory_space<vmem>> -> memref<1x80x128xf32, #tpu.memory_space<vmem>>
      %dma_start3A_433 = tpu.memref_squeeze %dma_start3A_432 : memref<1x80x128xf32, #tpu.memory_space<vmem>> -> memref<80x128xf32, #tpu.memory_space<vmem>>
      %dma_start3A_434 = arith.constant 0 : i32
      %dma_start3A_435 = tpu.memref_slice %arg4[%add3A_427, %dma_start3A_434] : memref<204800x128xf32, #tpu.memory_space<hbm>> -> memref<80x128xf32, #tpu.memory_space<hbm>>
      %dma_start3A_436 = tpu.memref_slice %arg8[%dma_start3A_429] : memref<10x!tpu.dma_semaphore, #tpu.memory_space<semaphore_mem>> -> memref<1x!tpu.dma_semaphore, #tpu.memory_space<semaphore_mem>>
      %dma_start3A_437 = tpu.memref_squeeze %dma_start3A_436 : memref<1x!tpu.dma_semaphore, #tpu.memory_space<semaphore_mem>> -> memref<!tpu.dma_semaphore, #tpu.memory_space<semaphore_mem>>
      %dma_start3A_438 = arith.constant 0 : i32
      %dma_start3A_439 = tpu.memref_slice %arg4[%add3A_427, %dma_start3A_438] : memref<204800x128xf32, #tpu.memory_space<hbm>> -> memref<80x128xf32, #tpu.memory_space<hbm>>
      %dma_start3A_440 = arith.constant 0 : i32
      %dma_start3A_441 = arith.constant 0 : i32
      %dma_start3A_442 = tpu.memref_slice %arg6[%dma_start3A_428, %dma_start3A_440, %dma_start3A_441] : memref<10x80x128xf32, #tpu.memory_space<vmem>> -> memref<1x80x128xf32, #tpu.memory_space<vmem>>
      %dma_start3A_443 = tpu.memref_squeeze %dma_start3A_442 : memref<1x80x128xf32, #tpu.memory_space<vmem>> -> memref<80x128xf32, #tpu.memory_space<vmem>>
      tpu.enqueue_dma source(%dma_start3A_443 : memref<80x128xf32, #tpu.memory_space<vmem>>) target(%dma_start3A_439 : memref<80x128xf32, #tpu.memory_space<hbm>>) target_semaphore(%dma_start3A_437 : memref<!tpu.dma_semaphore, #tpu.memory_space<semaphore_mem>>)
      %add3A_444 = arith.constant 7 : i32
      %add3A_445 = arith.addi %add3A_410, %add3A_444 : i32
      %lt3A_446 = arith.constant 80 : i32
      %lt3A_447 = arith.cmpi slt, %add3A_445, %lt3A_446 : i32
      %convert_element_type3A_448 = arith.extui %lt3A_447 : i1 to i32
      %cond3A_449 = arith.constant 0 : i32
      %cond3A_450 = arith.cmpi ne, %convert_element_type3A_448, %cond3A_449 : i32
      scf.if %cond3A_450 {
        %ge3A = arith.constant 10 : i32
        %ge3A_715 = arith.cmpi sge, %add3A_445, %ge3A : i32
        %convert_element_type3A_716 = arith.extui %ge3A_715 : i1 to i32
        %cond3A_717 = arith.constant 0 : i32
        %cond3A_718 = arith.cmpi ne, %convert_element_type3A_716, %cond3A_717 : i32
        scf.if %cond3A_718 {
          %sub3A = arith.constant 10 : i32
          %sub3A_733 = arith.subi %add3A_445, %sub3A : i32
          %mul3A_734 = arith.constant 80 : i32
          %mul3A_735 = arith.muli %sub3A_733, %mul3A_734 : i32
          %add3A_736 = arith.addi %mul3A_2, %mul3A_735 : i32
          %dma_wait3A_737 = arith.constant 0 : i32
          %dma_wait3A_738 = arith.constant 0 : i32
          %dma_wait3A_739 = arith.constant 0 : i32
          %dma_wait3A_740 = arith.constant 0 : i32
          %dma_wait3A_741 = tpu.memref_slice %arg6[%dma_wait3A_737, %dma_wait3A_739, %dma_wait3A_740] : memref<10x80x128xf32, #tpu.memory_space<vmem>> -> memref<1x80x128xf32, #tpu.memory_space<vmem>>
          %dma_wait3A_742 = tpu.memref_squeeze %dma_wait3A_741 : memref<1x80x128xf32, #tpu.memory_space<vmem>> -> memref<80x128xf32, #tpu.memory_space<vmem>>
          %dma_wait3A_743 = arith.constant 0 : i32
          %dma_wait3A_744 = tpu.memref_slice %arg4[%add3A_736, %dma_wait3A_743] : memref<204800x128xf32, #tpu.memory_space<hbm>> -> memref<80x128xf32, #tpu.memory_space<hbm>>
          %dma_wait3A_745 = tpu.memref_slice %arg8[%dma_wait3A_738] : memref<10x!tpu.dma_semaphore, #tpu.memory_space<semaphore_mem>> -> memref<1x!tpu.dma_semaphore, #tpu.memory_space<semaphore_mem>>
          %dma_wait3A_746 = tpu.memref_squeeze %dma_wait3A_745 : memref<1x!tpu.dma_semaphore, #tpu.memory_space<semaphore_mem>> -> memref<!tpu.dma_semaphore, #tpu.memory_space<semaphore_mem>>
          %dma_wait3A_747 = arith.constant 0 : i32
          %dma_wait3A_748 = tpu.memref_slice %arg4[%add3A_736, %dma_wait3A_747] : memref<204800x128xf32, #tpu.memory_space<hbm>> -> memref<80x128xf32, #tpu.memory_space<hbm>>
          %dma_wait3A_749 = arith.constant 0 : i32
          %dma_wait3A_750 = arith.constant 0 : i32
          %dma_wait3A_751 = tpu.memref_slice %arg6[%dma_wait3A_737, %dma_wait3A_749, %dma_wait3A_750] : memref<10x80x128xf32, #tpu.memory_space<vmem>> -> memref<1x80x128xf32, #tpu.memory_space<vmem>>
          %dma_wait3A_752 = tpu.memref_squeeze %dma_wait3A_751 : memref<1x80x128xf32, #tpu.memory_space<vmem>> -> memref<80x128xf32, #tpu.memory_space<vmem>>
          tpu.wait_dma2 semaphore(%dma_wait3A_746 : memref<!tpu.dma_semaphore, #tpu.memory_space<semaphore_mem>>) src(%dma_wait3A_752 : memref<80x128xf32, #tpu.memory_space<vmem>>) dst(%dma_wait3A_748 : memref<80x128xf32, #tpu.memory_space<hbm>>)
        } else {
        }
        %mul3A_719 = arith.constant 80 : i32
        %mul3A_720 = arith.muli %add3A_445, %mul3A_719 : i32
        %dma_start3A_721 = arith.constant 0 : i32
        %dma_start3A_722 = arith.constant 0 : i32
        %dma_start3A_723 = arith.constant 0 : i32
        %dma_start3A_724 = arith.constant 0 : i32
        %dma_start3A_725 = tpu.memref_slice %arg6[%dma_start3A_721, %dma_start3A_723, %dma_start3A_724] : memref<10x80x128xf32, #tpu.memory_space<vmem>> -> memref<1x80x128xf32, #tpu.memory_space<vmem>>
        %dma_start3A_726 = tpu.memref_squeeze %dma_start3A_725 : memref<1x80x128xf32, #tpu.memory_space<vmem>> -> memref<80x128xf32, #tpu.memory_space<vmem>>
        %dma_start3A_727 = tpu.memref_slice %arg5[%mul3A_720] : memref<6400xi32, #tpu.memory_space<vmem>> -> memref<80xi32, #tpu.memory_space<vmem>>
        %dma_start3A_728 = arith.constant 0 : i32
        %dma_start3A_729 = arith.constant 0 : i32
        %dma_start3A_730 = tpu.memref_slice %arg3[%dma_start3A_728, %dma_start3A_729] : memref<100000x128xf32, #tpu.memory_space<hbm>> -> memref<100000x128xf32, #tpu.memory_space<hbm>>
        %dma_start3A_731 = tpu.memref_slice %arg7[%dma_start3A_722] : memref<10x!tpu.dma_semaphore, #tpu.memory_space<semaphore_mem>> -> memref<1x!tpu.dma_semaphore, #tpu.memory_space<semaphore_mem>>
        %dma_start3A_732 = tpu.memref_squeeze %dma_start3A_731 : memref<1x!tpu.dma_semaphore, #tpu.memory_space<semaphore_mem>> -> memref<!tpu.dma_semaphore, #tpu.memory_space<semaphore_mem>>
        tpu.enqueue_indirect_dma source(%dma_start3A_730 : memref<100000x128xf32, #tpu.memory_space<hbm>>) target(%dma_start3A_726 : memref<80x128xf32, #tpu.memory_space<vmem>>) offsets(%dma_start3A_727 : memref<80xi32, #tpu.memory_space<vmem>>) semaphore(%dma_start3A_732 : memref<!tpu.dma_semaphore, #tpu.memory_space<semaphore_mem>>)
      } else {
      }
      %mul3A_451 = arith.constant 10 : i32
      %mul3A_452 = arith.muli %scan3A_277, %mul3A_451 : i32
      %add3A_453 = arith.constant 4 : i32
      %add3A_454 = arith.addi %mul3A_452, %add3A_453 : i32
      %mul3A_455 = arith.constant 80 : i32
      %mul3A_456 = arith.muli %add3A_454, %mul3A_455 : i32
      %dma_wait3A_457 = arith.constant 4 : i32
      %dma_wait3A_458 = arith.constant 4 : i32
      %dma_wait3A_459 = arith.constant 0 : i32
      %dma_wait3A_460 = arith.constant 0 : i32
      %dma_wait3A_461 = tpu.memref_slice %arg6[%dma_wait3A_457, %dma_wait3A_459, %dma_wait3A_460] : memref<10x80x128xf32, #tpu.memory_space<vmem>> -> memref<1x80x128xf32, #tpu.memory_space<vmem>>
      %dma_wait3A_462 = tpu.memref_squeeze %dma_wait3A_461 : memref<1x80x128xf32, #tpu.memory_space<vmem>> -> memref<80x128xf32, #tpu.memory_space<vmem>>
      %dma_wait3A_463 = tpu.memref_slice %arg5[%mul3A_456] : memref<6400xi32, #tpu.memory_space<vmem>> -> memref<80xi32, #tpu.memory_space<vmem>>
      %dma_wait3A_464 = arith.constant 0 : i32
      %dma_wait3A_465 = arith.constant 0 : i32
      %dma_wait3A_466 = tpu.memref_slice %arg3[%dma_wait3A_464, %dma_wait3A_465] : memref<100000x128xf32, #tpu.memory_space<hbm>> -> memref<100000x128xf32, #tpu.memory_space<hbm>>
      %dma_wait3A_467 = tpu.memref_slice %arg7[%dma_wait3A_458] : memref<10x!tpu.dma_semaphore, #tpu.memory_space<semaphore_mem>> -> memref<1x!tpu.dma_semaphore, #tpu.memory_space<semaphore_mem>>
      %dma_wait3A_468 = tpu.memref_squeeze %dma_wait3A_467 : memref<1x!tpu.dma_semaphore, #tpu.memory_space<semaphore_mem>> -> memref<!tpu.dma_semaphore, #tpu.memory_space<semaphore_mem>>
      tpu.wait_indirect_dma semaphore(%dma_wait3A_468 : memref<!tpu.dma_semaphore, #tpu.memory_space<semaphore_mem>>) src(%dma_wait3A_466 : memref<100000x128xf32, #tpu.memory_space<hbm>>) dst(%dma_wait3A_462 : memref<80x128xf32, #tpu.memory_space<vmem>>)
      %mul3A_469 = arith.constant 80 : i32
      %mul3A_470 = arith.muli %add3A_454, %mul3A_469 : i32
      %add3A_471 = arith.addi %mul3A_2, %mul3A_470 : i32
      %dma_start3A_472 = arith.constant 4 : i32
      %dma_start3A_473 = arith.constant 4 : i32
      %dma_start3A_474 = arith.constant 0 : i32
      %dma_start3A_475 = arith.constant 0 : i32
      %dma_start3A_476 = tpu.memref_slice %arg6[%dma_start3A_472, %dma_start3A_474, %dma_start3A_475] : memref<10x80x128xf32, #tpu.memory_space<vmem>> -> memref<1x80x128xf32, #tpu.memory_space<vmem>>
      %dma_start3A_477 = tpu.memref_squeeze %dma_start3A_476 : memref<1x80x128xf32, #tpu.memory_space<vmem>> -> memref<80x128xf32, #tpu.memory_space<vmem>>
      %dma_start3A_478 = arith.constant 0 : i32
      %dma_start3A_479 = tpu.memref_slice %arg4[%add3A_471, %dma_start3A_478] : memref<204800x128xf32, #tpu.memory_space<hbm>> -> memref<80x128xf32, #tpu.memory_space<hbm>>
      %dma_start3A_480 = tpu.memref_slice %arg8[%dma_start3A_473] : memref<10x!tpu.dma_semaphore, #tpu.memory_space<semaphore_mem>> -> memref<1x!tpu.dma_semaphore, #tpu.memory_space<semaphore_mem>>
      %dma_start3A_481 = tpu.memref_squeeze %dma_start3A_480 : memref<1x!tpu.dma_semaphore, #tpu.memory_space<semaphore_mem>> -> memref<!tpu.dma_semaphore, #tpu.memory_space<semaphore_mem>>
      %dma_start3A_482 = arith.constant 0 : i32
      %dma_start3A_483 = tpu.memref_slice %arg4[%add3A_471, %dma_start3A_482] : memref<204800x128xf32, #tpu.memory_space<hbm>> -> memref<80x128xf32, #tpu.memory_space<hbm>>
      %dma_start3A_484 = arith.constant 0 : i32
      %dma_start3A_485 = arith.constant 0 : i32
      %dma_start3A_486 = tpu.memref_slice %arg6[%dma_start3A_472, %dma_start3A_484, %dma_start3A_485] : memref<10x80x128xf32, #tpu.memory_space<vmem>> -> memref<1x80x128xf32, #tpu.memory_space<vmem>>
      %dma_start3A_487 = tpu.memref_squeeze %dma_start3A_486 : memref<1x80x128xf32, #tpu.memory_space<vmem>> -> memref<80x128xf32, #tpu.memory_space<vmem>>
      tpu.enqueue_dma source(%dma_start3A_487 : memref<80x128xf32, #tpu.memory_space<vmem>>) target(%dma_start3A_483 : memref<80x128xf32, #tpu.memory_space<hbm>>) target_semaphore(%dma_start3A_481 : memref<!tpu.dma_semaphore, #tpu.memory_space<semaphore_mem>>)
      %add3A_488 = arith.constant 7 : i32
      %add3A_489 = arith.addi %add3A_454, %add3A_488 : i32
      %lt3A_490 = arith.constant 80 : i32
      %lt3A_491 = arith.cmpi slt, %add3A_489, %lt3A_490 : i32
      %convert_element_type3A_492 = arith.extui %lt3A_491 : i1 to i32
      %cond3A_493 = arith.constant 0 : i32
      %cond3A_494 = arith.cmpi ne, %convert_element_type3A_492, %cond3A_493 : i32
      scf.if %cond3A_494 {
        %ge3A = arith.constant 10 : i32
        %ge3A_715 = arith.cmpi sge, %add3A_489, %ge3A : i32
        %convert_element_type3A_716 = arith.extui %ge3A_715 : i1 to i32
        %cond3A_717 = arith.constant 0 : i32
        %cond3A_718 = arith.cmpi ne, %convert_element_type3A_716, %cond3A_717 : i32
        scf.if %cond3A_718 {
          %sub3A = arith.constant 10 : i32
          %sub3A_733 = arith.subi %add3A_489, %sub3A : i32
          %mul3A_734 = arith.constant 80 : i32
          %mul3A_735 = arith.muli %sub3A_733, %mul3A_734 : i32
          %add3A_736 = arith.addi %mul3A_2, %mul3A_735 : i32
          %dma_wait3A_737 = arith.constant 1 : i32
          %dma_wait3A_738 = arith.constant 1 : i32
          %dma_wait3A_739 = arith.constant 0 : i32
          %dma_wait3A_740 = arith.constant 0 : i32
          %dma_wait3A_741 = tpu.memref_slice %arg6[%dma_wait3A_737, %dma_wait3A_739, %dma_wait3A_740] : memref<10x80x128xf32, #tpu.memory_space<vmem>> -> memref<1x80x128xf32, #tpu.memory_space<vmem>>
          %dma_wait3A_742 = tpu.memref_squeeze %dma_wait3A_741 : memref<1x80x128xf32, #tpu.memory_space<vmem>> -> memref<80x128xf32, #tpu.memory_space<vmem>>
          %dma_wait3A_743 = arith.constant 0 : i32
          %dma_wait3A_744 = tpu.memref_slice %arg4[%add3A_736, %dma_wait3A_743] : memref<204800x128xf32, #tpu.memory_space<hbm>> -> memref<80x128xf32, #tpu.memory_space<hbm>>
          %dma_wait3A_745 = tpu.memref_slice %arg8[%dma_wait3A_738] : memref<10x!tpu.dma_semaphore, #tpu.memory_space<semaphore_mem>> -> memref<1x!tpu.dma_semaphore, #tpu.memory_space<semaphore_mem>>
          %dma_wait3A_746 = tpu.memref_squeeze %dma_wait3A_745 : memref<1x!tpu.dma_semaphore, #tpu.memory_space<semaphore_mem>> -> memref<!tpu.dma_semaphore, #tpu.memory_space<semaphore_mem>>
          %dma_wait3A_747 = arith.constant 0 : i32
          %dma_wait3A_748 = tpu.memref_slice %arg4[%add3A_736, %dma_wait3A_747] : memref<204800x128xf32, #tpu.memory_space<hbm>> -> memref<80x128xf32, #tpu.memory_space<hbm>>
          %dma_wait3A_749 = arith.constant 0 : i32
          %dma_wait3A_750 = arith.constant 0 : i32
          %dma_wait3A_751 = tpu.memref_slice %arg6[%dma_wait3A_737, %dma_wait3A_749, %dma_wait3A_750] : memref<10x80x128xf32, #tpu.memory_space<vmem>> -> memref<1x80x128xf32, #tpu.memory_space<vmem>>
          %dma_wait3A_752 = tpu.memref_squeeze %dma_wait3A_751 : memref<1x80x128xf32, #tpu.memory_space<vmem>> -> memref<80x128xf32, #tpu.memory_space<vmem>>
          tpu.wait_dma2 semaphore(%dma_wait3A_746 : memref<!tpu.dma_semaphore, #tpu.memory_space<semaphore_mem>>) src(%dma_wait3A_752 : memref<80x128xf32, #tpu.memory_space<vmem>>) dst(%dma_wait3A_748 : memref<80x128xf32, #tpu.memory_space<hbm>>)
        } else {
        }
        %mul3A_719 = arith.constant 80 : i32
        %mul3A_720 = arith.muli %add3A_489, %mul3A_719 : i32
        %dma_start3A_721 = arith.constant 1 : i32
        %dma_start3A_722 = arith.constant 1 : i32
        %dma_start3A_723 = arith.constant 0 : i32
        %dma_start3A_724 = arith.constant 0 : i32
        %dma_start3A_725 = tpu.memref_slice %arg6[%dma_start3A_721, %dma_start3A_723, %dma_start3A_724] : memref<10x80x128xf32, #tpu.memory_space<vmem>> -> memref<1x80x128xf32, #tpu.memory_space<vmem>>
        %dma_start3A_726 = tpu.memref_squeeze %dma_start3A_725 : memref<1x80x128xf32, #tpu.memory_space<vmem>> -> memref<80x128xf32, #tpu.memory_space<vmem>>
        %dma_start3A_727 = tpu.memref_slice %arg5[%mul3A_720] : memref<6400xi32, #tpu.memory_space<vmem>> -> memref<80xi32, #tpu.memory_space<vmem>>
        %dma_start3A_728 = arith.constant 0 : i32
        %dma_start3A_729 = arith.constant 0 : i32
        %dma_start3A_730 = tpu.memref_slice %arg3[%dma_start3A_728, %dma_start3A_729] : memref<100000x128xf32, #tpu.memory_space<hbm>> -> memref<100000x128xf32, #tpu.memory_space<hbm>>
        %dma_start3A_731 = tpu.memref_slice %arg7[%dma_start3A_722] : memref<10x!tpu.dma_semaphore, #tpu.memory_space<semaphore_mem>> -> memref<1x!tpu.dma_semaphore, #tpu.memory_space<semaphore_mem>>
        %dma_start3A_732 = tpu.memref_squeeze %dma_start3A_731 : memref<1x!tpu.dma_semaphore, #tpu.memory_space<semaphore_mem>> -> memref<!tpu.dma_semaphore, #tpu.memory_space<semaphore_mem>>
        tpu.enqueue_indirect_dma source(%dma_start3A_730 : memref<100000x128xf32, #tpu.memory_space<hbm>>) target(%dma_start3A_726 : memref<80x128xf32, #tpu.memory_space<vmem>>) offsets(%dma_start3A_727 : memref<80xi32, #tpu.memory_space<vmem>>) semaphore(%dma_start3A_732 : memref<!tpu.dma_semaphore, #tpu.memory_space<semaphore_mem>>)
      } else {
      }
      %mul3A_495 = arith.constant 10 : i32
      %mul3A_496 = arith.muli %scan3A_277, %mul3A_495 : i32
      %add3A_497 = arith.constant 5 : i32
      %add3A_498 = arith.addi %mul3A_496, %add3A_497 : i32
      %mul3A_499 = arith.constant 80 : i32
      %mul3A_500 = arith.muli %add3A_498, %mul3A_499 : i32
      %dma_wait3A_501 = arith.constant 5 : i32
      %dma_wait3A_502 = arith.constant 5 : i32
      %dma_wait3A_503 = arith.constant 0 : i32
      %dma_wait3A_504 = arith.constant 0 : i32
      %dma_wait3A_505 = tpu.memref_slice %arg6[%dma_wait3A_501, %dma_wait3A_503, %dma_wait3A_504] : memref<10x80x128xf32, #tpu.memory_space<vmem>> -> memref<1x80x128xf32, #tpu.memory_space<vmem>>
      %dma_wait3A_506 = tpu.memref_squeeze %dma_wait3A_505 : memref<1x80x128xf32, #tpu.memory_space<vmem>> -> memref<80x128xf32, #tpu.memory_space<vmem>>
      %dma_wait3A_507 = tpu.memref_slice %arg5[%mul3A_500] : memref<6400xi32, #tpu.memory_space<vmem>> -> memref<80xi32, #tpu.memory_space<vmem>>
      %dma_wait3A_508 = arith.constant 0 : i32
      %dma_wait3A_509 = arith.constant 0 : i32
      %dma_wait3A_510 = tpu.memref_slice %arg3[%dma_wait3A_508, %dma_wait3A_509] : memref<100000x128xf32, #tpu.memory_space<hbm>> -> memref<100000x128xf32, #tpu.memory_space<hbm>>
      %dma_wait3A_511 = tpu.memref_slice %arg7[%dma_wait3A_502] : memref<10x!tpu.dma_semaphore, #tpu.memory_space<semaphore_mem>> -> memref<1x!tpu.dma_semaphore, #tpu.memory_space<semaphore_mem>>
      %dma_wait3A_512 = tpu.memref_squeeze %dma_wait3A_511 : memref<1x!tpu.dma_semaphore, #tpu.memory_space<semaphore_mem>> -> memref<!tpu.dma_semaphore, #tpu.memory_space<semaphore_mem>>
      tpu.wait_indirect_dma semaphore(%dma_wait3A_512 : memref<!tpu.dma_semaphore, #tpu.memory_space<semaphore_mem>>) src(%dma_wait3A_510 : memref<100000x128xf32, #tpu.memory_space<hbm>>) dst(%dma_wait3A_506 : memref<80x128xf32, #tpu.memory_space<vmem>>)
      %mul3A_513 = arith.constant 80 : i32
      %mul3A_514 = arith.muli %add3A_498, %mul3A_513 : i32
      %add3A_515 = arith.addi %mul3A_2, %mul3A_514 : i32
      %dma_start3A_516 = arith.constant 5 : i32
      %dma_start3A_517 = arith.constant 5 : i32
      %dma_start3A_518 = arith.constant 0 : i32
      %dma_start3A_519 = arith.constant 0 : i32
      %dma_start3A_520 = tpu.memref_slice %arg6[%dma_start3A_516, %dma_start3A_518, %dma_start3A_519] : memref<10x80x128xf32, #tpu.memory_space<vmem>> -> memref<1x80x128xf32, #tpu.memory_space<vmem>>
      %dma_start3A_521 = tpu.memref_squeeze %dma_start3A_520 : memref<1x80x128xf32, #tpu.memory_space<vmem>> -> memref<80x128xf32, #tpu.memory_space<vmem>>
      %dma_start3A_522 = arith.constant 0 : i32
      %dma_start3A_523 = tpu.memref_slice %arg4[%add3A_515, %dma_start3A_522] : memref<204800x128xf32, #tpu.memory_space<hbm>> -> memref<80x128xf32, #tpu.memory_space<hbm>>
      %dma_start3A_524 = tpu.memref_slice %arg8[%dma_start3A_517] : memref<10x!tpu.dma_semaphore, #tpu.memory_space<semaphore_mem>> -> memref<1x!tpu.dma_semaphore, #tpu.memory_space<semaphore_mem>>
      %dma_start3A_525 = tpu.memref_squeeze %dma_start3A_524 : memref<1x!tpu.dma_semaphore, #tpu.memory_space<semaphore_mem>> -> memref<!tpu.dma_semaphore, #tpu.memory_space<semaphore_mem>>
      %dma_start3A_526 = arith.constant 0 : i32
      %dma_start3A_527 = tpu.memref_slice %arg4[%add3A_515, %dma_start3A_526] : memref<204800x128xf32, #tpu.memory_space<hbm>> -> memref<80x128xf32, #tpu.memory_space<hbm>>
      %dma_start3A_528 = arith.constant 0 : i32
      %dma_start3A_529 = arith.constant 0 : i32
      %dma_start3A_530 = tpu.memref_slice %arg6[%dma_start3A_516, %dma_start3A_528, %dma_start3A_529] : memref<10x80x128xf32, #tpu.memory_space<vmem>> -> memref<1x80x128xf32, #tpu.memory_space<vmem>>
      %dma_start3A_531 = tpu.memref_squeeze %dma_start3A_530 : memref<1x80x128xf32, #tpu.memory_space<vmem>> -> memref<80x128xf32, #tpu.memory_space<vmem>>
      tpu.enqueue_dma source(%dma_start3A_531 : memref<80x128xf32, #tpu.memory_space<vmem>>) target(%dma_start3A_527 : memref<80x128xf32, #tpu.memory_space<hbm>>) target_semaphore(%dma_start3A_525 : memref<!tpu.dma_semaphore, #tpu.memory_space<semaphore_mem>>)
      %add3A_532 = arith.constant 7 : i32
      %add3A_533 = arith.addi %add3A_498, %add3A_532 : i32
      %lt3A_534 = arith.constant 80 : i32
      %lt3A_535 = arith.cmpi slt, %add3A_533, %lt3A_534 : i32
      %convert_element_type3A_536 = arith.extui %lt3A_535 : i1 to i32
      %cond3A_537 = arith.constant 0 : i32
      %cond3A_538 = arith.cmpi ne, %convert_element_type3A_536, %cond3A_537 : i32
      scf.if %cond3A_538 {
        %ge3A = arith.constant 10 : i32
        %ge3A_715 = arith.cmpi sge, %add3A_533, %ge3A : i32
        %convert_element_type3A_716 = arith.extui %ge3A_715 : i1 to i32
        %cond3A_717 = arith.constant 0 : i32
        %cond3A_718 = arith.cmpi ne, %convert_element_type3A_716, %cond3A_717 : i32
        scf.if %cond3A_718 {
          %sub3A = arith.constant 10 : i32
          %sub3A_733 = arith.subi %add3A_533, %sub3A : i32
          %mul3A_734 = arith.constant 80 : i32
          %mul3A_735 = arith.muli %sub3A_733, %mul3A_734 : i32
          %add3A_736 = arith.addi %mul3A_2, %mul3A_735 : i32
          %dma_wait3A_737 = arith.constant 2 : i32
          %dma_wait3A_738 = arith.constant 2 : i32
          %dma_wait3A_739 = arith.constant 0 : i32
          %dma_wait3A_740 = arith.constant 0 : i32
          %dma_wait3A_741 = tpu.memref_slice %arg6[%dma_wait3A_737, %dma_wait3A_739, %dma_wait3A_740] : memref<10x80x128xf32, #tpu.memory_space<vmem>> -> memref<1x80x128xf32, #tpu.memory_space<vmem>>
          %dma_wait3A_742 = tpu.memref_squeeze %dma_wait3A_741 : memref<1x80x128xf32, #tpu.memory_space<vmem>> -> memref<80x128xf32, #tpu.memory_space<vmem>>
          %dma_wait3A_743 = arith.constant 0 : i32
          %dma_wait3A_744 = tpu.memref_slice %arg4[%add3A_736, %dma_wait3A_743] : memref<204800x128xf32, #tpu.memory_space<hbm>> -> memref<80x128xf32, #tpu.memory_space<hbm>>
          %dma_wait3A_745 = tpu.memref_slice %arg8[%dma_wait3A_738] : memref<10x!tpu.dma_semaphore, #tpu.memory_space<semaphore_mem>> -> memref<1x!tpu.dma_semaphore, #tpu.memory_space<semaphore_mem>>
          %dma_wait3A_746 = tpu.memref_squeeze %dma_wait3A_745 : memref<1x!tpu.dma_semaphore, #tpu.memory_space<semaphore_mem>> -> memref<!tpu.dma_semaphore, #tpu.memory_space<semaphore_mem>>
          %dma_wait3A_747 = arith.constant 0 : i32
          %dma_wait3A_748 = tpu.memref_slice %arg4[%add3A_736, %dma_wait3A_747] : memref<204800x128xf32, #tpu.memory_space<hbm>> -> memref<80x128xf32, #tpu.memory_space<hbm>>
          %dma_wait3A_749 = arith.constant 0 : i32
          %dma_wait3A_750 = arith.constant 0 : i32
          %dma_wait3A_751 = tpu.memref_slice %arg6[%dma_wait3A_737, %dma_wait3A_749, %dma_wait3A_750] : memref<10x80x128xf32, #tpu.memory_space<vmem>> -> memref<1x80x128xf32, #tpu.memory_space<vmem>>
          %dma_wait3A_752 = tpu.memref_squeeze %dma_wait3A_751 : memref<1x80x128xf32, #tpu.memory_space<vmem>> -> memref<80x128xf32, #tpu.memory_space<vmem>>
          tpu.wait_dma2 semaphore(%dma_wait3A_746 : memref<!tpu.dma_semaphore, #tpu.memory_space<semaphore_mem>>) src(%dma_wait3A_752 : memref<80x128xf32, #tpu.memory_space<vmem>>) dst(%dma_wait3A_748 : memref<80x128xf32, #tpu.memory_space<hbm>>)
        } else {
        }
        %mul3A_719 = arith.constant 80 : i32
        %mul3A_720 = arith.muli %add3A_533, %mul3A_719 : i32
        %dma_start3A_721 = arith.constant 2 : i32
        %dma_start3A_722 = arith.constant 2 : i32
        %dma_start3A_723 = arith.constant 0 : i32
        %dma_start3A_724 = arith.constant 0 : i32
        %dma_start3A_725 = tpu.memref_slice %arg6[%dma_start3A_721, %dma_start3A_723, %dma_start3A_724] : memref<10x80x128xf32, #tpu.memory_space<vmem>> -> memref<1x80x128xf32, #tpu.memory_space<vmem>>
        %dma_start3A_726 = tpu.memref_squeeze %dma_start3A_725 : memref<1x80x128xf32, #tpu.memory_space<vmem>> -> memref<80x128xf32, #tpu.memory_space<vmem>>
        %dma_start3A_727 = tpu.memref_slice %arg5[%mul3A_720] : memref<6400xi32, #tpu.memory_space<vmem>> -> memref<80xi32, #tpu.memory_space<vmem>>
        %dma_start3A_728 = arith.constant 0 : i32
        %dma_start3A_729 = arith.constant 0 : i32
        %dma_start3A_730 = tpu.memref_slice %arg3[%dma_start3A_728, %dma_start3A_729] : memref<100000x128xf32, #tpu.memory_space<hbm>> -> memref<100000x128xf32, #tpu.memory_space<hbm>>
        %dma_start3A_731 = tpu.memref_slice %arg7[%dma_start3A_722] : memref<10x!tpu.dma_semaphore, #tpu.memory_space<semaphore_mem>> -> memref<1x!tpu.dma_semaphore, #tpu.memory_space<semaphore_mem>>
        %dma_start3A_732 = tpu.memref_squeeze %dma_start3A_731 : memref<1x!tpu.dma_semaphore, #tpu.memory_space<semaphore_mem>> -> memref<!tpu.dma_semaphore, #tpu.memory_space<semaphore_mem>>
        tpu.enqueue_indirect_dma source(%dma_start3A_730 : memref<100000x128xf32, #tpu.memory_space<hbm>>) target(%dma_start3A_726 : memref<80x128xf32, #tpu.memory_space<vmem>>) offsets(%dma_start3A_727 : memref<80xi32, #tpu.memory_space<vmem>>) semaphore(%dma_start3A_732 : memref<!tpu.dma_semaphore, #tpu.memory_space<semaphore_mem>>)
      } else {
      }
      %mul3A_539 = arith.constant 10 : i32
      %mul3A_540 = arith.muli %scan3A_277, %mul3A_539 : i32
      %add3A_541 = arith.constant 6 : i32
      %add3A_542 = arith.addi %mul3A_540, %add3A_541 : i32
      %mul3A_543 = arith.constant 80 : i32
      %mul3A_544 = arith.muli %add3A_542, %mul3A_543 : i32
      %dma_wait3A_545 = arith.constant 6 : i32
      %dma_wait3A_546 = arith.constant 6 : i32
      %dma_wait3A_547 = arith.constant 0 : i32
      %dma_wait3A_548 = arith.constant 0 : i32
      %dma_wait3A_549 = tpu.memref_slice %arg6[%dma_wait3A_545, %dma_wait3A_547, %dma_wait3A_548] : memref<10x80x128xf32, #tpu.memory_space<vmem>> -> memref<1x80x128xf32, #tpu.memory_space<vmem>>
      %dma_wait3A_550 = tpu.memref_squeeze %dma_wait3A_549 : memref<1x80x128xf32, #tpu.memory_space<vmem>> -> memref<80x128xf32, #tpu.memory_space<vmem>>
      %dma_wait3A_551 = tpu.memref_slice %arg5[%mul3A_544] : memref<6400xi32, #tpu.memory_space<vmem>> -> memref<80xi32, #tpu.memory_space<vmem>>
      %dma_wait3A_552 = arith.constant 0 : i32
      %dma_wait3A_553 = arith.constant 0 : i32
      %dma_wait3A_554 = tpu.memref_slice %arg3[%dma_wait3A_552, %dma_wait3A_553] : memref<100000x128xf32, #tpu.memory_space<hbm>> -> memref<100000x128xf32, #tpu.memory_space<hbm>>
      %dma_wait3A_555 = tpu.memref_slice %arg7[%dma_wait3A_546] : memref<10x!tpu.dma_semaphore, #tpu.memory_space<semaphore_mem>> -> memref<1x!tpu.dma_semaphore, #tpu.memory_space<semaphore_mem>>
      %dma_wait3A_556 = tpu.memref_squeeze %dma_wait3A_555 : memref<1x!tpu.dma_semaphore, #tpu.memory_space<semaphore_mem>> -> memref<!tpu.dma_semaphore, #tpu.memory_space<semaphore_mem>>
      tpu.wait_indirect_dma semaphore(%dma_wait3A_556 : memref<!tpu.dma_semaphore, #tpu.memory_space<semaphore_mem>>) src(%dma_wait3A_554 : memref<100000x128xf32, #tpu.memory_space<hbm>>) dst(%dma_wait3A_550 : memref<80x128xf32, #tpu.memory_space<vmem>>)
      %mul3A_557 = arith.constant 80 : i32
      %mul3A_558 = arith.muli %add3A_542, %mul3A_557 : i32
      %add3A_559 = arith.addi %mul3A_2, %mul3A_558 : i32
      %dma_start3A_560 = arith.constant 6 : i32
      %dma_start3A_561 = arith.constant 6 : i32
      %dma_start3A_562 = arith.constant 0 : i32
      %dma_start3A_563 = arith.constant 0 : i32
      %dma_start3A_564 = tpu.memref_slice %arg6[%dma_start3A_560, %dma_start3A_562, %dma_start3A_563] : memref<10x80x128xf32, #tpu.memory_space<vmem>> -> memref<1x80x128xf32, #tpu.memory_space<vmem>>
      %dma_start3A_565 = tpu.memref_squeeze %dma_start3A_564 : memref<1x80x128xf32, #tpu.memory_space<vmem>> -> memref<80x128xf32, #tpu.memory_space<vmem>>
      %dma_start3A_566 = arith.constant 0 : i32
      %dma_start3A_567 = tpu.memref_slice %arg4[%add3A_559, %dma_start3A_566] : memref<204800x128xf32, #tpu.memory_space<hbm>> -> memref<80x128xf32, #tpu.memory_space<hbm>>
      %dma_start3A_568 = tpu.memref_slice %arg8[%dma_start3A_561] : memref<10x!tpu.dma_semaphore, #tpu.memory_space<semaphore_mem>> -> memref<1x!tpu.dma_semaphore, #tpu.memory_space<semaphore_mem>>
      %dma_start3A_569 = tpu.memref_squeeze %dma_start3A_568 : memref<1x!tpu.dma_semaphore, #tpu.memory_space<semaphore_mem>> -> memref<!tpu.dma_semaphore, #tpu.memory_space<semaphore_mem>>
      %dma_start3A_570 = arith.constant 0 : i32
      %dma_start3A_571 = tpu.memref_slice %arg4[%add3A_559, %dma_start3A_570] : memref<204800x128xf32, #tpu.memory_space<hbm>> -> memref<80x128xf32, #tpu.memory_space<hbm>>
      %dma_start3A_572 = arith.constant 0 : i32
      %dma_start3A_573 = arith.constant 0 : i32
      %dma_start3A_574 = tpu.memref_slice %arg6[%dma_start3A_560, %dma_start3A_572, %dma_start3A_573] : memref<10x80x128xf32, #tpu.memory_space<vmem>> -> memref<1x80x128xf32, #tpu.memory_space<vmem>>
      %dma_start3A_575 = tpu.memref_squeeze %dma_start3A_574 : memref<1x80x128xf32, #tpu.memory_space<vmem>> -> memref<80x128xf32, #tpu.memory_space<vmem>>
      tpu.enqueue_dma source(%dma_start3A_575 : memref<80x128xf32, #tpu.memory_space<vmem>>) target(%dma_start3A_571 : memref<80x128xf32, #tpu.memory_space<hbm>>) target_semaphore(%dma_start3A_569 : memref<!tpu.dma_semaphore, #tpu.memory_space<semaphore_mem>>)
      %add3A_576 = arith.constant 7 : i32
      %add3A_577 = arith.addi %add3A_542, %add3A_576 : i32
      %lt3A_578 = arith.constant 80 : i32
      %lt3A_579 = arith.cmpi slt, %add3A_577, %lt3A_578 : i32
      %convert_element_type3A_580 = arith.extui %lt3A_579 : i1 to i32
      %cond3A_581 = arith.constant 0 : i32
      %cond3A_582 = arith.cmpi ne, %convert_element_type3A_580, %cond3A_581 : i32
      scf.if %cond3A_582 {
        %ge3A = arith.constant 10 : i32
        %ge3A_715 = arith.cmpi sge, %add3A_577, %ge3A : i32
        %convert_element_type3A_716 = arith.extui %ge3A_715 : i1 to i32
        %cond3A_717 = arith.constant 0 : i32
        %cond3A_718 = arith.cmpi ne, %convert_element_type3A_716, %cond3A_717 : i32
        scf.if %cond3A_718 {
          %sub3A = arith.constant 10 : i32
          %sub3A_733 = arith.subi %add3A_577, %sub3A : i32
          %mul3A_734 = arith.constant 80 : i32
          %mul3A_735 = arith.muli %sub3A_733, %mul3A_734 : i32
          %add3A_736 = arith.addi %mul3A_2, %mul3A_735 : i32
          %dma_wait3A_737 = arith.constant 3 : i32
          %dma_wait3A_738 = arith.constant 3 : i32
          %dma_wait3A_739 = arith.constant 0 : i32
          %dma_wait3A_740 = arith.constant 0 : i32
          %dma_wait3A_741 = tpu.memref_slice %arg6[%dma_wait3A_737, %dma_wait3A_739, %dma_wait3A_740] : memref<10x80x128xf32, #tpu.memory_space<vmem>> -> memref<1x80x128xf32, #tpu.memory_space<vmem>>
          %dma_wait3A_742 = tpu.memref_squeeze %dma_wait3A_741 : memref<1x80x128xf32, #tpu.memory_space<vmem>> -> memref<80x128xf32, #tpu.memory_space<vmem>>
          %dma_wait3A_743 = arith.constant 0 : i32
          %dma_wait3A_744 = tpu.memref_slice %arg4[%add3A_736, %dma_wait3A_743] : memref<204800x128xf32, #tpu.memory_space<hbm>> -> memref<80x128xf32, #tpu.memory_space<hbm>>
          %dma_wait3A_745 = tpu.memref_slice %arg8[%dma_wait3A_738] : memref<10x!tpu.dma_semaphore, #tpu.memory_space<semaphore_mem>> -> memref<1x!tpu.dma_semaphore, #tpu.memory_space<semaphore_mem>>
          %dma_wait3A_746 = tpu.memref_squeeze %dma_wait3A_745 : memref<1x!tpu.dma_semaphore, #tpu.memory_space<semaphore_mem>> -> memref<!tpu.dma_semaphore, #tpu.memory_space<semaphore_mem>>
          %dma_wait3A_747 = arith.constant 0 : i32
          %dma_wait3A_748 = tpu.memref_slice %arg4[%add3A_736, %dma_wait3A_747] : memref<204800x128xf32, #tpu.memory_space<hbm>> -> memref<80x128xf32, #tpu.memory_space<hbm>>
          %dma_wait3A_749 = arith.constant 0 : i32
          %dma_wait3A_750 = arith.constant 0 : i32
          %dma_wait3A_751 = tpu.memref_slice %arg6[%dma_wait3A_737, %dma_wait3A_749, %dma_wait3A_750] : memref<10x80x128xf32, #tpu.memory_space<vmem>> -> memref<1x80x128xf32, #tpu.memory_space<vmem>>
          %dma_wait3A_752 = tpu.memref_squeeze %dma_wait3A_751 : memref<1x80x128xf32, #tpu.memory_space<vmem>> -> memref<80x128xf32, #tpu.memory_space<vmem>>
          tpu.wait_dma2 semaphore(%dma_wait3A_746 : memref<!tpu.dma_semaphore, #tpu.memory_space<semaphore_mem>>) src(%dma_wait3A_752 : memref<80x128xf32, #tpu.memory_space<vmem>>) dst(%dma_wait3A_748 : memref<80x128xf32, #tpu.memory_space<hbm>>)
        } else {
        }
        %mul3A_719 = arith.constant 80 : i32
        %mul3A_720 = arith.muli %add3A_577, %mul3A_719 : i32
        %dma_start3A_721 = arith.constant 3 : i32
        %dma_start3A_722 = arith.constant 3 : i32
        %dma_start3A_723 = arith.constant 0 : i32
        %dma_start3A_724 = arith.constant 0 : i32
        %dma_start3A_725 = tpu.memref_slice %arg6[%dma_start3A_721, %dma_start3A_723, %dma_start3A_724] : memref<10x80x128xf32, #tpu.memory_space<vmem>> -> memref<1x80x128xf32, #tpu.memory_space<vmem>>
        %dma_start3A_726 = tpu.memref_squeeze %dma_start3A_725 : memref<1x80x128xf32, #tpu.memory_space<vmem>> -> memref<80x128xf32, #tpu.memory_space<vmem>>
        %dma_start3A_727 = tpu.memref_slice %arg5[%mul3A_720] : memref<6400xi32, #tpu.memory_space<vmem>> -> memref<80xi32, #tpu.memory_space<vmem>>
        %dma_start3A_728 = arith.constant 0 : i32
        %dma_start3A_729 = arith.constant 0 : i32
        %dma_start3A_730 = tpu.memref_slice %arg3[%dma_start3A_728, %dma_start3A_729] : memref<100000x128xf32, #tpu.memory_space<hbm>> -> memref<100000x128xf32, #tpu.memory_space<hbm>>
        %dma_start3A_731 = tpu.memref_slice %arg7[%dma_start3A_722] : memref<10x!tpu.dma_semaphore, #tpu.memory_space<semaphore_mem>> -> memref<1x!tpu.dma_semaphore, #tpu.memory_space<semaphore_mem>>
        %dma_start3A_732 = tpu.memref_squeeze %dma_start3A_731 : memref<1x!tpu.dma_semaphore, #tpu.memory_space<semaphore_mem>> -> memref<!tpu.dma_semaphore, #tpu.memory_space<semaphore_mem>>
        tpu.enqueue_indirect_dma source(%dma_start3A_730 : memref<100000x128xf32, #tpu.memory_space<hbm>>) target(%dma_start3A_726 : memref<80x128xf32, #tpu.memory_space<vmem>>) offsets(%dma_start3A_727 : memref<80xi32, #tpu.memory_space<vmem>>) semaphore(%dma_start3A_732 : memref<!tpu.dma_semaphore, #tpu.memory_space<semaphore_mem>>)
      } else {
      }
      %mul3A_583 = arith.constant 10 : i32
      %mul3A_584 = arith.muli %scan3A_277, %mul3A_583 : i32
      %add3A_585 = arith.constant 7 : i32
      %add3A_586 = arith.addi %mul3A_584, %add3A_585 : i32
      %mul3A_587 = arith.constant 80 : i32
      %mul3A_588 = arith.muli %add3A_586, %mul3A_587 : i32
      %dma_wait3A_589 = arith.constant 7 : i32
      %dma_wait3A_590 = arith.constant 7 : i32
      %dma_wait3A_591 = arith.constant 0 : i32
      %dma_wait3A_592 = arith.constant 0 : i32
      %dma_wait3A_593 = tpu.memref_slice %arg6[%dma_wait3A_589, %dma_wait3A_591, %dma_wait3A_592] : memref<10x80x128xf32, #tpu.memory_space<vmem>> -> memref<1x80x128xf32, #tpu.memory_space<vmem>>
      %dma_wait3A_594 = tpu.memref_squeeze %dma_wait3A_593 : memref<1x80x128xf32, #tpu.memory_space<vmem>> -> memref<80x128xf32, #tpu.memory_space<vmem>>
      %dma_wait3A_595 = tpu.memref_slice %arg5[%mul3A_588] : memref<6400xi32, #tpu.memory_space<vmem>> -> memref<80xi32, #tpu.memory_space<vmem>>
      %dma_wait3A_596 = arith.constant 0 : i32
      %dma_wait3A_597 = arith.constant 0 : i32
      %dma_wait3A_598 = tpu.memref_slice %arg3[%dma_wait3A_596, %dma_wait3A_597] : memref<100000x128xf32, #tpu.memory_space<hbm>> -> memref<100000x128xf32, #tpu.memory_space<hbm>>
      %dma_wait3A_599 = tpu.memref_slice %arg7[%dma_wait3A_590] : memref<10x!tpu.dma_semaphore, #tpu.memory_space<semaphore_mem>> -> memref<1x!tpu.dma_semaphore, #tpu.memory_space<semaphore_mem>>
      %dma_wait3A_600 = tpu.memref_squeeze %dma_wait3A_599 : memref<1x!tpu.dma_semaphore, #tpu.memory_space<semaphore_mem>> -> memref<!tpu.dma_semaphore, #tpu.memory_space<semaphore_mem>>
      tpu.wait_indirect_dma semaphore(%dma_wait3A_600 : memref<!tpu.dma_semaphore, #tpu.memory_space<semaphore_mem>>) src(%dma_wait3A_598 : memref<100000x128xf32, #tpu.memory_space<hbm>>) dst(%dma_wait3A_594 : memref<80x128xf32, #tpu.memory_space<vmem>>)
      %mul3A_601 = arith.constant 80 : i32
      %mul3A_602 = arith.muli %add3A_586, %mul3A_601 : i32
      %add3A_603 = arith.addi %mul3A_2, %mul3A_602 : i32
      %dma_start3A_604 = arith.constant 7 : i32
      %dma_start3A_605 = arith.constant 7 : i32
      %dma_start3A_606 = arith.constant 0 : i32
      %dma_start3A_607 = arith.constant 0 : i32
      %dma_start3A_608 = tpu.memref_slice %arg6[%dma_start3A_604, %dma_start3A_606, %dma_start3A_607] : memref<10x80x128xf32, #tpu.memory_space<vmem>> -> memref<1x80x128xf32, #tpu.memory_space<vmem>>
      %dma_start3A_609 = tpu.memref_squeeze %dma_start3A_608 : memref<1x80x128xf32, #tpu.memory_space<vmem>> -> memref<80x128xf32, #tpu.memory_space<vmem>>
      %dma_start3A_610 = arith.constant 0 : i32
      %dma_start3A_611 = tpu.memref_slice %arg4[%add3A_603, %dma_start3A_610] : memref<204800x128xf32, #tpu.memory_space<hbm>> -> memref<80x128xf32, #tpu.memory_space<hbm>>
      %dma_start3A_612 = tpu.memref_slice %arg8[%dma_start3A_605] : memref<10x!tpu.dma_semaphore, #tpu.memory_space<semaphore_mem>> -> memref<1x!tpu.dma_semaphore, #tpu.memory_space<semaphore_mem>>
      %dma_start3A_613 = tpu.memref_squeeze %dma_start3A_612 : memref<1x!tpu.dma_semaphore, #tpu.memory_space<semaphore_mem>> -> memref<!tpu.dma_semaphore, #tpu.memory_space<semaphore_mem>>
      %dma_start3A_614 = arith.constant 0 : i32
      %dma_start3A_615 = tpu.memref_slice %arg4[%add3A_603, %dma_start3A_614] : memref<204800x128xf32, #tpu.memory_space<hbm>> -> memref<80x128xf32, #tpu.memory_space<hbm>>
      %dma_start3A_616 = arith.constant 0 : i32
      %dma_start3A_617 = arith.constant 0 : i32
      %dma_start3A_618 = tpu.memref_slice %arg6[%dma_start3A_604, %dma_start3A_616, %dma_start3A_617] : memref<10x80x128xf32, #tpu.memory_space<vmem>> -> memref<1x80x128xf32, #tpu.memory_space<vmem>>
      %dma_start3A_619 = tpu.memref_squeeze %dma_start3A_618 : memref<1x80x128xf32, #tpu.memory_space<vmem>> -> memref<80x128xf32, #tpu.memory_space<vmem>>
      tpu.enqueue_dma source(%dma_start3A_619 : memref<80x128xf32, #tpu.memory_space<vmem>>) target(%dma_start3A_615 : memref<80x128xf32, #tpu.memory_space<hbm>>) target_semaphore(%dma_start3A_613 : memref<!tpu.dma_semaphore, #tpu.memory_space<semaphore_mem>>)
      %add3A_620 = arith.constant 7 : i32
      %add3A_621 = arith.addi %add3A_586, %add3A_620 : i32
      %lt3A_622 = arith.constant 80 : i32
      %lt3A_623 = arith.cmpi slt, %add3A_621, %lt3A_622 : i32
      %convert_element_type3A_624 = arith.extui %lt3A_623 : i1 to i32
      %cond3A_625 = arith.constant 0 : i32
      %cond3A_626 = arith.cmpi ne, %convert_element_type3A_624, %cond3A_625 : i32
      scf.if %cond3A_626 {
        %ge3A = arith.constant 10 : i32
        %ge3A_715 = arith.cmpi sge, %add3A_621, %ge3A : i32
        %convert_element_type3A_716 = arith.extui %ge3A_715 : i1 to i32
        %cond3A_717 = arith.constant 0 : i32
        %cond3A_718 = arith.cmpi ne, %convert_element_type3A_716, %cond3A_717 : i32
        scf.if %cond3A_718 {
          %sub3A = arith.constant 10 : i32
          %sub3A_733 = arith.subi %add3A_621, %sub3A : i32
          %mul3A_734 = arith.constant 80 : i32
          %mul3A_735 = arith.muli %sub3A_733, %mul3A_734 : i32
          %add3A_736 = arith.addi %mul3A_2, %mul3A_735 : i32
          %dma_wait3A_737 = arith.constant 4 : i32
          %dma_wait3A_738 = arith.constant 4 : i32
          %dma_wait3A_739 = arith.constant 0 : i32
          %dma_wait3A_740 = arith.constant 0 : i32
          %dma_wait3A_741 = tpu.memref_slice %arg6[%dma_wait3A_737, %dma_wait3A_739, %dma_wait3A_740] : memref<10x80x128xf32, #tpu.memory_space<vmem>> -> memref<1x80x128xf32, #tpu.memory_space<vmem>>
          %dma_wait3A_742 = tpu.memref_squeeze %dma_wait3A_741 : memref<1x80x128xf32, #tpu.memory_space<vmem>> -> memref<80x128xf32, #tpu.memory_space<vmem>>
          %dma_wait3A_743 = arith.constant 0 : i32
          %dma_wait3A_744 = tpu.memref_slice %arg4[%add3A_736, %dma_wait3A_743] : memref<204800x128xf32, #tpu.memory_space<hbm>> -> memref<80x128xf32, #tpu.memory_space<hbm>>
          %dma_wait3A_745 = tpu.memref_slice %arg8[%dma_wait3A_738] : memref<10x!tpu.dma_semaphore, #tpu.memory_space<semaphore_mem>> -> memref<1x!tpu.dma_semaphore, #tpu.memory_space<semaphore_mem>>
          %dma_wait3A_746 = tpu.memref_squeeze %dma_wait3A_745 : memref<1x!tpu.dma_semaphore, #tpu.memory_space<semaphore_mem>> -> memref<!tpu.dma_semaphore, #tpu.memory_space<semaphore_mem>>
          %dma_wait3A_747 = arith.constant 0 : i32
          %dma_wait3A_748 = tpu.memref_slice %arg4[%add3A_736, %dma_wait3A_747] : memref<204800x128xf32, #tpu.memory_space<hbm>> -> memref<80x128xf32, #tpu.memory_space<hbm>>
          %dma_wait3A_749 = arith.constant 0 : i32
          %dma_wait3A_750 = arith.constant 0 : i32
          %dma_wait3A_751 = tpu.memref_slice %arg6[%dma_wait3A_737, %dma_wait3A_749, %dma_wait3A_750] : memref<10x80x128xf32, #tpu.memory_space<vmem>> -> memref<1x80x128xf32, #tpu.memory_space<vmem>>
          %dma_wait3A_752 = tpu.memref_squeeze %dma_wait3A_751 : memref<1x80x128xf32, #tpu.memory_space<vmem>> -> memref<80x128xf32, #tpu.memory_space<vmem>>
          tpu.wait_dma2 semaphore(%dma_wait3A_746 : memref<!tpu.dma_semaphore, #tpu.memory_space<semaphore_mem>>) src(%dma_wait3A_752 : memref<80x128xf32, #tpu.memory_space<vmem>>) dst(%dma_wait3A_748 : memref<80x128xf32, #tpu.memory_space<hbm>>)
        } else {
        }
        %mul3A_719 = arith.constant 80 : i32
        %mul3A_720 = arith.muli %add3A_621, %mul3A_719 : i32
        %dma_start3A_721 = arith.constant 4 : i32
        %dma_start3A_722 = arith.constant 4 : i32
        %dma_start3A_723 = arith.constant 0 : i32
        %dma_start3A_724 = arith.constant 0 : i32
        %dma_start3A_725 = tpu.memref_slice %arg6[%dma_start3A_721, %dma_start3A_723, %dma_start3A_724] : memref<10x80x128xf32, #tpu.memory_space<vmem>> -> memref<1x80x128xf32, #tpu.memory_space<vmem>>
        %dma_start3A_726 = tpu.memref_squeeze %dma_start3A_725 : memref<1x80x128xf32, #tpu.memory_space<vmem>> -> memref<80x128xf32, #tpu.memory_space<vmem>>
        %dma_start3A_727 = tpu.memref_slice %arg5[%mul3A_720] : memref<6400xi32, #tpu.memory_space<vmem>> -> memref<80xi32, #tpu.memory_space<vmem>>
        %dma_start3A_728 = arith.constant 0 : i32
        %dma_start3A_729 = arith.constant 0 : i32
        %dma_start3A_730 = tpu.memref_slice %arg3[%dma_start3A_728, %dma_start3A_729] : memref<100000x128xf32, #tpu.memory_space<hbm>> -> memref<100000x128xf32, #tpu.memory_space<hbm>>
        %dma_start3A_731 = tpu.memref_slice %arg7[%dma_start3A_722] : memref<10x!tpu.dma_semaphore, #tpu.memory_space<semaphore_mem>> -> memref<1x!tpu.dma_semaphore, #tpu.memory_space<semaphore_mem>>
        %dma_start3A_732 = tpu.memref_squeeze %dma_start3A_731 : memref<1x!tpu.dma_semaphore, #tpu.memory_space<semaphore_mem>> -> memref<!tpu.dma_semaphore, #tpu.memory_space<semaphore_mem>>
        tpu.enqueue_indirect_dma source(%dma_start3A_730 : memref<100000x128xf32, #tpu.memory_space<hbm>>) target(%dma_start3A_726 : memref<80x128xf32, #tpu.memory_space<vmem>>) offsets(%dma_start3A_727 : memref<80xi32, #tpu.memory_space<vmem>>) semaphore(%dma_start3A_732 : memref<!tpu.dma_semaphore, #tpu.memory_space<semaphore_mem>>)
      } else {
      }
      %mul3A_627 = arith.constant 10 : i32
      %mul3A_628 = arith.muli %scan3A_277, %mul3A_627 : i32
      %add3A_629 = arith.constant 8 : i32
      %add3A_630 = arith.addi %mul3A_628, %add3A_629 : i32
      %mul3A_631 = arith.constant 80 : i32
      %mul3A_632 = arith.muli %add3A_630, %mul3A_631 : i32
      %dma_wait3A_633 = arith.constant 8 : i32
      %dma_wait3A_634 = arith.constant 8 : i32
      %dma_wait3A_635 = arith.constant 0 : i32
      %dma_wait3A_636 = arith.constant 0 : i32
      %dma_wait3A_637 = tpu.memref_slice %arg6[%dma_wait3A_633, %dma_wait3A_635, %dma_wait3A_636] : memref<10x80x128xf32, #tpu.memory_space<vmem>> -> memref<1x80x128xf32, #tpu.memory_space<vmem>>
      %dma_wait3A_638 = tpu.memref_squeeze %dma_wait3A_637 : memref<1x80x128xf32, #tpu.memory_space<vmem>> -> memref<80x128xf32, #tpu.memory_space<vmem>>
      %dma_wait3A_639 = tpu.memref_slice %arg5[%mul3A_632] : memref<6400xi32, #tpu.memory_space<vmem>> -> memref<80xi32, #tpu.memory_space<vmem>>
      %dma_wait3A_640 = arith.constant 0 : i32
      %dma_wait3A_641 = arith.constant 0 : i32
      %dma_wait3A_642 = tpu.memref_slice %arg3[%dma_wait3A_640, %dma_wait3A_641] : memref<100000x128xf32, #tpu.memory_space<hbm>> -> memref<100000x128xf32, #tpu.memory_space<hbm>>
      %dma_wait3A_643 = tpu.memref_slice %arg7[%dma_wait3A_634] : memref<10x!tpu.dma_semaphore, #tpu.memory_space<semaphore_mem>> -> memref<1x!tpu.dma_semaphore, #tpu.memory_space<semaphore_mem>>
      %dma_wait3A_644 = tpu.memref_squeeze %dma_wait3A_643 : memref<1x!tpu.dma_semaphore, #tpu.memory_space<semaphore_mem>> -> memref<!tpu.dma_semaphore, #tpu.memory_space<semaphore_mem>>
      tpu.wait_indirect_dma semaphore(%dma_wait3A_644 : memref<!tpu.dma_semaphore, #tpu.memory_space<semaphore_mem>>) src(%dma_wait3A_642 : memref<100000x128xf32, #tpu.memory_space<hbm>>) dst(%dma_wait3A_638 : memref<80x128xf32, #tpu.memory_space<vmem>>)
      %mul3A_645 = arith.constant 80 : i32
      %mul3A_646 = arith.muli %add3A_630, %mul3A_645 : i32
      %add3A_647 = arith.addi %mul3A_2, %mul3A_646 : i32
      %dma_start3A_648 = arith.constant 8 : i32
      %dma_start3A_649 = arith.constant 8 : i32
      %dma_start3A_650 = arith.constant 0 : i32
      %dma_start3A_651 = arith.constant 0 : i32
      %dma_start3A_652 = tpu.memref_slice %arg6[%dma_start3A_648, %dma_start3A_650, %dma_start3A_651] : memref<10x80x128xf32, #tpu.memory_space<vmem>> -> memref<1x80x128xf32, #tpu.memory_space<vmem>>
      %dma_start3A_653 = tpu.memref_squeeze %dma_start3A_652 : memref<1x80x128xf32, #tpu.memory_space<vmem>> -> memref<80x128xf32, #tpu.memory_space<vmem>>
      %dma_start3A_654 = arith.constant 0 : i32
      %dma_start3A_655 = tpu.memref_slice %arg4[%add3A_647, %dma_start3A_654] : memref<204800x128xf32, #tpu.memory_space<hbm>> -> memref<80x128xf32, #tpu.memory_space<hbm>>
      %dma_start3A_656 = tpu.memref_slice %arg8[%dma_start3A_649] : memref<10x!tpu.dma_semaphore, #tpu.memory_space<semaphore_mem>> -> memref<1x!tpu.dma_semaphore, #tpu.memory_space<semaphore_mem>>
      %dma_start3A_657 = tpu.memref_squeeze %dma_start3A_656 : memref<1x!tpu.dma_semaphore, #tpu.memory_space<semaphore_mem>> -> memref<!tpu.dma_semaphore, #tpu.memory_space<semaphore_mem>>
      %dma_start3A_658 = arith.constant 0 : i32
      %dma_start3A_659 = tpu.memref_slice %arg4[%add3A_647, %dma_start3A_658] : memref<204800x128xf32, #tpu.memory_space<hbm>> -> memref<80x128xf32, #tpu.memory_space<hbm>>
      %dma_start3A_660 = arith.constant 0 : i32
      %dma_start3A_661 = arith.constant 0 : i32
      %dma_start3A_662 = tpu.memref_slice %arg6[%dma_start3A_648, %dma_start3A_660, %dma_start3A_661] : memref<10x80x128xf32, #tpu.memory_space<vmem>> -> memref<1x80x128xf32, #tpu.memory_space<vmem>>
      %dma_start3A_663 = tpu.memref_squeeze %dma_start3A_662 : memref<1x80x128xf32, #tpu.memory_space<vmem>> -> memref<80x128xf32, #tpu.memory_space<vmem>>
      tpu.enqueue_dma source(%dma_start3A_663 : memref<80x128xf32, #tpu.memory_space<vmem>>) target(%dma_start3A_659 : memref<80x128xf32, #tpu.memory_space<hbm>>) target_semaphore(%dma_start3A_657 : memref<!tpu.dma_semaphore, #tpu.memory_space<semaphore_mem>>)
      %add3A_664 = arith.constant 7 : i32
      %add3A_665 = arith.addi %add3A_630, %add3A_664 : i32
      %lt3A_666 = arith.constant 80 : i32
      %lt3A_667 = arith.cmpi slt, %add3A_665, %lt3A_666 : i32
      %convert_element_type3A_668 = arith.extui %lt3A_667 : i1 to i32
      %cond3A_669 = arith.constant 0 : i32
      %cond3A_670 = arith.cmpi ne, %convert_element_type3A_668, %cond3A_669 : i32
      scf.if %cond3A_670 {
        %ge3A = arith.constant 10 : i32
        %ge3A_715 = arith.cmpi sge, %add3A_665, %ge3A : i32
        %convert_element_type3A_716 = arith.extui %ge3A_715 : i1 to i32
        %cond3A_717 = arith.constant 0 : i32
        %cond3A_718 = arith.cmpi ne, %convert_element_type3A_716, %cond3A_717 : i32
        scf.if %cond3A_718 {
          %sub3A = arith.constant 10 : i32
          %sub3A_733 = arith.subi %add3A_665, %sub3A : i32
          %mul3A_734 = arith.constant 80 : i32
          %mul3A_735 = arith.muli %sub3A_733, %mul3A_734 : i32
          %add3A_736 = arith.addi %mul3A_2, %mul3A_735 : i32
          %dma_wait3A_737 = arith.constant 5 : i32
          %dma_wait3A_738 = arith.constant 5 : i32
          %dma_wait3A_739 = arith.constant 0 : i32
          %dma_wait3A_740 = arith.constant 0 : i32
          %dma_wait3A_741 = tpu.memref_slice %arg6[%dma_wait3A_737, %dma_wait3A_739, %dma_wait3A_740] : memref<10x80x128xf32, #tpu.memory_space<vmem>> -> memref<1x80x128xf32, #tpu.memory_space<vmem>>
          %dma_wait3A_742 = tpu.memref_squeeze %dma_wait3A_741 : memref<1x80x128xf32, #tpu.memory_space<vmem>> -> memref<80x128xf32, #tpu.memory_space<vmem>>
          %dma_wait3A_743 = arith.constant 0 : i32
          %dma_wait3A_744 = tpu.memref_slice %arg4[%add3A_736, %dma_wait3A_743] : memref<204800x128xf32, #tpu.memory_space<hbm>> -> memref<80x128xf32, #tpu.memory_space<hbm>>
          %dma_wait3A_745 = tpu.memref_slice %arg8[%dma_wait3A_738] : memref<10x!tpu.dma_semaphore, #tpu.memory_space<semaphore_mem>> -> memref<1x!tpu.dma_semaphore, #tpu.memory_space<semaphore_mem>>
          %dma_wait3A_746 = tpu.memref_squeeze %dma_wait3A_745 : memref<1x!tpu.dma_semaphore, #tpu.memory_space<semaphore_mem>> -> memref<!tpu.dma_semaphore, #tpu.memory_space<semaphore_mem>>
          %dma_wait3A_747 = arith.constant 0 : i32
          %dma_wait3A_748 = tpu.memref_slice %arg4[%add3A_736, %dma_wait3A_747] : memref<204800x128xf32, #tpu.memory_space<hbm>> -> memref<80x128xf32, #tpu.memory_space<hbm>>
          %dma_wait3A_749 = arith.constant 0 : i32
          %dma_wait3A_750 = arith.constant 0 : i32
          %dma_wait3A_751 = tpu.memref_slice %arg6[%dma_wait3A_737, %dma_wait3A_749, %dma_wait3A_750] : memref<10x80x128xf32, #tpu.memory_space<vmem>> -> memref<1x80x128xf32, #tpu.memory_space<vmem>>
          %dma_wait3A_752 = tpu.memref_squeeze %dma_wait3A_751 : memref<1x80x128xf32, #tpu.memory_space<vmem>> -> memref<80x128xf32, #tpu.memory_space<vmem>>
          tpu.wait_dma2 semaphore(%dma_wait3A_746 : memref<!tpu.dma_semaphore, #tpu.memory_space<semaphore_mem>>) src(%dma_wait3A_752 : memref<80x128xf32, #tpu.memory_space<vmem>>) dst(%dma_wait3A_748 : memref<80x128xf32, #tpu.memory_space<hbm>>)
        } else {
        }
        %mul3A_719 = arith.constant 80 : i32
        %mul3A_720 = arith.muli %add3A_665, %mul3A_719 : i32
        %dma_start3A_721 = arith.constant 5 : i32
        %dma_start3A_722 = arith.constant 5 : i32
        %dma_start3A_723 = arith.constant 0 : i32
        %dma_start3A_724 = arith.constant 0 : i32
        %dma_start3A_725 = tpu.memref_slice %arg6[%dma_start3A_721, %dma_start3A_723, %dma_start3A_724] : memref<10x80x128xf32, #tpu.memory_space<vmem>> -> memref<1x80x128xf32, #tpu.memory_space<vmem>>
        %dma_start3A_726 = tpu.memref_squeeze %dma_start3A_725 : memref<1x80x128xf32, #tpu.memory_space<vmem>> -> memref<80x128xf32, #tpu.memory_space<vmem>>
        %dma_start3A_727 = tpu.memref_slice %arg5[%mul3A_720] : memref<6400xi32, #tpu.memory_space<vmem>> -> memref<80xi32, #tpu.memory_space<vmem>>
        %dma_start3A_728 = arith.constant 0 : i32
        %dma_start3A_729 = arith.constant 0 : i32
        %dma_start3A_730 = tpu.memref_slice %arg3[%dma_start3A_728, %dma_start3A_729] : memref<100000x128xf32, #tpu.memory_space<hbm>> -> memref<100000x128xf32, #tpu.memory_space<hbm>>
        %dma_start3A_731 = tpu.memref_slice %arg7[%dma_start3A_722] : memref<10x!tpu.dma_semaphore, #tpu.memory_space<semaphore_mem>> -> memref<1x!tpu.dma_semaphore, #tpu.memory_space<semaphore_mem>>
        %dma_start3A_732 = tpu.memref_squeeze %dma_start3A_731 : memref<1x!tpu.dma_semaphore, #tpu.memory_space<semaphore_mem>> -> memref<!tpu.dma_semaphore, #tpu.memory_space<semaphore_mem>>
        tpu.enqueue_indirect_dma source(%dma_start3A_730 : memref<100000x128xf32, #tpu.memory_space<hbm>>) target(%dma_start3A_726 : memref<80x128xf32, #tpu.memory_space<vmem>>) offsets(%dma_start3A_727 : memref<80xi32, #tpu.memory_space<vmem>>) semaphore(%dma_start3A_732 : memref<!tpu.dma_semaphore, #tpu.memory_space<semaphore_mem>>)
      } else {
      }
      %mul3A_671 = arith.constant 10 : i32
      %mul3A_672 = arith.muli %scan3A_277, %mul3A_671 : i32
      %add3A_673 = arith.constant 9 : i32
      %add3A_674 = arith.addi %mul3A_672, %add3A_673 : i32
      %mul3A_675 = arith.constant 80 : i32
      %mul3A_676 = arith.muli %add3A_674, %mul3A_675 : i32
      %dma_wait3A_677 = arith.constant 9 : i32
      %dma_wait3A_678 = arith.constant 9 : i32
      %dma_wait3A_679 = arith.constant 0 : i32
      %dma_wait3A_680 = arith.constant 0 : i32
      %dma_wait3A_681 = tpu.memref_slice %arg6[%dma_wait3A_677, %dma_wait3A_679, %dma_wait3A_680] : memref<10x80x128xf32, #tpu.memory_space<vmem>> -> memref<1x80x128xf32, #tpu.memory_space<vmem>>
      %dma_wait3A_682 = tpu.memref_squeeze %dma_wait3A_681 : memref<1x80x128xf32, #tpu.memory_space<vmem>> -> memref<80x128xf32, #tpu.memory_space<vmem>>
      %dma_wait3A_683 = tpu.memref_slice %arg5[%mul3A_676] : memref<6400xi32, #tpu.memory_space<vmem>> -> memref<80xi32, #tpu.memory_space<vmem>>
      %dma_wait3A_684 = arith.constant 0 : i32
      %dma_wait3A_685 = arith.constant 0 : i32
      %dma_wait3A_686 = tpu.memref_slice %arg3[%dma_wait3A_684, %dma_wait3A_685] : memref<100000x128xf32, #tpu.memory_space<hbm>> -> memref<100000x128xf32, #tpu.memory_space<hbm>>
      %dma_wait3A_687 = tpu.memref_slice %arg7[%dma_wait3A_678] : memref<10x!tpu.dma_semaphore, #tpu.memory_space<semaphore_mem>> -> memref<1x!tpu.dma_semaphore, #tpu.memory_space<semaphore_mem>>
      %dma_wait3A_688 = tpu.memref_squeeze %dma_wait3A_687 : memref<1x!tpu.dma_semaphore, #tpu.memory_space<semaphore_mem>> -> memref<!tpu.dma_semaphore, #tpu.memory_space<semaphore_mem>>
      tpu.wait_indirect_dma semaphore(%dma_wait3A_688 : memref<!tpu.dma_semaphore, #tpu.memory_space<semaphore_mem>>) src(%dma_wait3A_686 : memref<100000x128xf32, #tpu.memory_space<hbm>>) dst(%dma_wait3A_682 : memref<80x128xf32, #tpu.memory_space<vmem>>)
      %mul3A_689 = arith.constant 80 : i32
      %mul3A_690 = arith.muli %add3A_674, %mul3A_689 : i32
      %add3A_691 = arith.addi %mul3A_2, %mul3A_690 : i32
      %dma_start3A_692 = arith.constant 9 : i32
      %dma_start3A_693 = arith.constant 9 : i32
      %dma_start3A_694 = arith.constant 0 : i32
      %dma_start3A_695 = arith.constant 0 : i32
      %dma_start3A_696 = tpu.memref_slice %arg6[%dma_start3A_692, %dma_start3A_694, %dma_start3A_695] : memref<10x80x128xf32, #tpu.memory_space<vmem>> -> memref<1x80x128xf32, #tpu.memory_space<vmem>>
      %dma_start3A_697 = tpu.memref_squeeze %dma_start3A_696 : memref<1x80x128xf32, #tpu.memory_space<vmem>> -> memref<80x128xf32, #tpu.memory_space<vmem>>
      %dma_start3A_698 = arith.constant 0 : i32
      %dma_start3A_699 = tpu.memref_slice %arg4[%add3A_691, %dma_start3A_698] : memref<204800x128xf32, #tpu.memory_space<hbm>> -> memref<80x128xf32, #tpu.memory_space<hbm>>
      %dma_start3A_700 = tpu.memref_slice %arg8[%dma_start3A_693] : memref<10x!tpu.dma_semaphore, #tpu.memory_space<semaphore_mem>> -> memref<1x!tpu.dma_semaphore, #tpu.memory_space<semaphore_mem>>
      %dma_start3A_701 = tpu.memref_squeeze %dma_start3A_700 : memref<1x!tpu.dma_semaphore, #tpu.memory_space<semaphore_mem>> -> memref<!tpu.dma_semaphore, #tpu.memory_space<semaphore_mem>>
      %dma_start3A_702 = arith.constant 0 : i32
      %dma_start3A_703 = tpu.memref_slice %arg4[%add3A_691, %dma_start3A_702] : memref<204800x128xf32, #tpu.memory_space<hbm>> -> memref<80x128xf32, #tpu.memory_space<hbm>>
      %dma_start3A_704 = arith.constant 0 : i32
      %dma_start3A_705 = arith.constant 0 : i32
      %dma_start3A_706 = tpu.memref_slice %arg6[%dma_start3A_692, %dma_start3A_704, %dma_start3A_705] : memref<10x80x128xf32, #tpu.memory_space<vmem>> -> memref<1x80x128xf32, #tpu.memory_space<vmem>>
      %dma_start3A_707 = tpu.memref_squeeze %dma_start3A_706 : memref<1x80x128xf32, #tpu.memory_space<vmem>> -> memref<80x128xf32, #tpu.memory_space<vmem>>
      tpu.enqueue_dma source(%dma_start3A_707 : memref<80x128xf32, #tpu.memory_space<vmem>>) target(%dma_start3A_703 : memref<80x128xf32, #tpu.memory_space<hbm>>) target_semaphore(%dma_start3A_701 : memref<!tpu.dma_semaphore, #tpu.memory_space<semaphore_mem>>)
      %add3A_708 = arith.constant 7 : i32
      %add3A_709 = arith.addi %add3A_674, %add3A_708 : i32
      %lt3A_710 = arith.constant 80 : i32
      %lt3A_711 = arith.cmpi slt, %add3A_709, %lt3A_710 : i32
      %convert_element_type3A_712 = arith.extui %lt3A_711 : i1 to i32
      %cond3A_713 = arith.constant 0 : i32
      %cond3A_714 = arith.cmpi ne, %convert_element_type3A_712, %cond3A_713 : i32
      scf.if %cond3A_714 {
        %ge3A = arith.constant 10 : i32
        %ge3A_715 = arith.cmpi sge, %add3A_709, %ge3A : i32
        %convert_element_type3A_716 = arith.extui %ge3A_715 : i1 to i32
        %cond3A_717 = arith.constant 0 : i32
        %cond3A_718 = arith.cmpi ne, %convert_element_type3A_716, %cond3A_717 : i32
        scf.if %cond3A_718 {
          %sub3A = arith.constant 10 : i32
          %sub3A_733 = arith.subi %add3A_709, %sub3A : i32
          %mul3A_734 = arith.constant 80 : i32
          %mul3A_735 = arith.muli %sub3A_733, %mul3A_734 : i32
          %add3A_736 = arith.addi %mul3A_2, %mul3A_735 : i32
          %dma_wait3A_737 = arith.constant 6 : i32
          %dma_wait3A_738 = arith.constant 6 : i32
          %dma_wait3A_739 = arith.constant 0 : i32
          %dma_wait3A_740 = arith.constant 0 : i32
          %dma_wait3A_741 = tpu.memref_slice %arg6[%dma_wait3A_737, %dma_wait3A_739, %dma_wait3A_740] : memref<10x80x128xf32, #tpu.memory_space<vmem>> -> memref<1x80x128xf32, #tpu.memory_space<vmem>>
          %dma_wait3A_742 = tpu.memref_squeeze %dma_wait3A_741 : memref<1x80x128xf32, #tpu.memory_space<vmem>> -> memref<80x128xf32, #tpu.memory_space<vmem>>
          %dma_wait3A_743 = arith.constant 0 : i32
          %dma_wait3A_744 = tpu.memref_slice %arg4[%add3A_736, %dma_wait3A_743] : memref<204800x128xf32, #tpu.memory_space<hbm>> -> memref<80x128xf32, #tpu.memory_space<hbm>>
          %dma_wait3A_745 = tpu.memref_slice %arg8[%dma_wait3A_738] : memref<10x!tpu.dma_semaphore, #tpu.memory_space<semaphore_mem>> -> memref<1x!tpu.dma_semaphore, #tpu.memory_space<semaphore_mem>>
          %dma_wait3A_746 = tpu.memref_squeeze %dma_wait3A_745 : memref<1x!tpu.dma_semaphore, #tpu.memory_space<semaphore_mem>> -> memref<!tpu.dma_semaphore, #tpu.memory_space<semaphore_mem>>
          %dma_wait3A_747 = arith.constant 0 : i32
          %dma_wait3A_748 = tpu.memref_slice %arg4[%add3A_736, %dma_wait3A_747] : memref<204800x128xf32, #tpu.memory_space<hbm>> -> memref<80x128xf32, #tpu.memory_space<hbm>>
          %dma_wait3A_749 = arith.constant 0 : i32
          %dma_wait3A_750 = arith.constant 0 : i32
          %dma_wait3A_751 = tpu.memref_slice %arg6[%dma_wait3A_737, %dma_wait3A_749, %dma_wait3A_750] : memref<10x80x128xf32, #tpu.memory_space<vmem>> -> memref<1x80x128xf32, #tpu.memory_space<vmem>>
          %dma_wait3A_752 = tpu.memref_squeeze %dma_wait3A_751 : memref<1x80x128xf32, #tpu.memory_space<vmem>> -> memref<80x128xf32, #tpu.memory_space<vmem>>
          tpu.wait_dma2 semaphore(%dma_wait3A_746 : memref<!tpu.dma_semaphore, #tpu.memory_space<semaphore_mem>>) src(%dma_wait3A_752 : memref<80x128xf32, #tpu.memory_space<vmem>>) dst(%dma_wait3A_748 : memref<80x128xf32, #tpu.memory_space<hbm>>)
        } else {
        }
        %mul3A_719 = arith.constant 80 : i32
        %mul3A_720 = arith.muli %add3A_709, %mul3A_719 : i32
        %dma_start3A_721 = arith.constant 6 : i32
        %dma_start3A_722 = arith.constant 6 : i32
        %dma_start3A_723 = arith.constant 0 : i32
        %dma_start3A_724 = arith.constant 0 : i32
        %dma_start3A_725 = tpu.memref_slice %arg6[%dma_start3A_721, %dma_start3A_723, %dma_start3A_724] : memref<10x80x128xf32, #tpu.memory_space<vmem>> -> memref<1x80x128xf32, #tpu.memory_space<vmem>>
        %dma_start3A_726 = tpu.memref_squeeze %dma_start3A_725 : memref<1x80x128xf32, #tpu.memory_space<vmem>> -> memref<80x128xf32, #tpu.memory_space<vmem>>
        %dma_start3A_727 = tpu.memref_slice %arg5[%mul3A_720] : memref<6400xi32, #tpu.memory_space<vmem>> -> memref<80xi32, #tpu.memory_space<vmem>>
        %dma_start3A_728 = arith.constant 0 : i32
        %dma_start3A_729 = arith.constant 0 : i32
        %dma_start3A_730 = tpu.memref_slice %arg3[%dma_start3A_728, %dma_start3A_729] : memref<100000x128xf32, #tpu.memory_space<hbm>> -> memref<100000x128xf32, #tpu.memory_space<hbm>>
        %dma_start3A_731 = tpu.memref_slice %arg7[%dma_start3A_722] : memref<10x!tpu.dma_semaphore, #tpu.memory_space<semaphore_mem>> -> memref<1x!tpu.dma_semaphore, #tpu.memory_space<semaphore_mem>>
        %dma_start3A_732 = tpu.memref_squeeze %dma_start3A_731 : memref<1x!tpu.dma_semaphore, #tpu.memory_space<semaphore_mem>> -> memref<!tpu.dma_semaphore, #tpu.memory_space<semaphore_mem>>
        tpu.enqueue_indirect_dma source(%dma_start3A_730 : memref<100000x128xf32, #tpu.memory_space<hbm>>) target(%dma_start3A_726 : memref<80x128xf32, #tpu.memory_space<vmem>>) offsets(%dma_start3A_727 : memref<80xi32, #tpu.memory_space<vmem>>) semaphore(%dma_start3A_732 : memref<!tpu.dma_semaphore, #tpu.memory_space<semaphore_mem>>)
      } else {
      }
    }
    %scan3A_97 = arith.constant 8 : i32
    %add3A_98 = arith.constant 5600 : i32
    %add3A_99 = arith.addi %mul3A_2, %add3A_98 : i32
    %dma_wait3A = arith.constant 0 : i32
    %dma_wait3A_100 = arith.constant 0 : i32
    %dma_wait3A_101 = arith.constant 0 : i32
    %dma_wait3A_102 = arith.constant 0 : i32
    %dma_wait3A_103 = tpu.memref_slice %arg6[%dma_wait3A, %dma_wait3A_101, %dma_wait3A_102] : memref<10x80x128xf32, #tpu.memory_space<vmem>> -> memref<1x80x128xf32, #tpu.memory_space<vmem>>
    %dma_wait3A_104 = tpu.memref_squeeze %dma_wait3A_103 : memref<1x80x128xf32, #tpu.memory_space<vmem>> -> memref<80x128xf32, #tpu.memory_space<vmem>>
    %dma_wait3A_105 = arith.constant 0 : i32
    %dma_wait3A_106 = tpu.memref_slice %arg4[%add3A_99, %dma_wait3A_105] : memref<204800x128xf32, #tpu.memory_space<hbm>> -> memref<80x128xf32, #tpu.memory_space<hbm>>
    %dma_wait3A_107 = tpu.memref_slice %arg8[%dma_wait3A_100] : memref<10x!tpu.dma_semaphore, #tpu.memory_space<semaphore_mem>> -> memref<1x!tpu.dma_semaphore, #tpu.memory_space<semaphore_mem>>
    %dma_wait3A_108 = tpu.memref_squeeze %dma_wait3A_107 : memref<1x!tpu.dma_semaphore, #tpu.memory_space<semaphore_mem>> -> memref<!tpu.dma_semaphore, #tpu.memory_space<semaphore_mem>>
    %dma_wait3A_109 = arith.constant 0 : i32
    %dma_wait3A_110 = tpu.memref_slice %arg4[%add3A_99, %dma_wait3A_109] : memref<204800x128xf32, #tpu.memory_space<hbm>> -> memref<80x128xf32, #tpu.memory_space<hbm>>
    %dma_wait3A_111 = arith.constant 0 : i32
    %dma_wait3A_112 = arith.constant 0 : i32
    %dma_wait3A_113 = tpu.memref_slice %arg6[%dma_wait3A, %dma_wait3A_111, %dma_wait3A_112] : memref<10x80x128xf32, #tpu.memory_space<vmem>> -> memref<1x80x128xf32, #tpu.memory_space<vmem>>
    %dma_wait3A_114 = tpu.memref_squeeze %dma_wait3A_113 : memref<1x80x128xf32, #tpu.memory_space<vmem>> -> memref<80x128xf32, #tpu.memory_space<vmem>>
    tpu.wait_dma2 semaphore(%dma_wait3A_108 : memref<!tpu.dma_semaphore, #tpu.memory_space<semaphore_mem>>) src(%dma_wait3A_114 : memref<80x128xf32, #tpu.memory_space<vmem>>) dst(%dma_wait3A_110 : memref<80x128xf32, #tpu.memory_space<hbm>>)
    %add3A_115 = arith.constant 5680 : i32
    %add3A_116 = arith.addi %mul3A_2, %add3A_115 : i32
    %dma_wait3A_117 = arith.constant 1 : i32
    %dma_wait3A_118 = arith.constant 1 : i32
    %dma_wait3A_119 = arith.constant 0 : i32
    %dma_wait3A_120 = arith.constant 0 : i32
    %dma_wait3A_121 = tpu.memref_slice %arg6[%dma_wait3A_117, %dma_wait3A_119, %dma_wait3A_120] : memref<10x80x128xf32, #tpu.memory_space<vmem>> -> memref<1x80x128xf32, #tpu.memory_space<vmem>>
    %dma_wait3A_122 = tpu.memref_squeeze %dma_wait3A_121 : memref<1x80x128xf32, #tpu.memory_space<vmem>> -> memref<80x128xf32, #tpu.memory_space<vmem>>
    %dma_wait3A_123 = arith.constant 0 : i32
    %dma_wait3A_124 = tpu.memref_slice %arg4[%add3A_116, %dma_wait3A_123] : memref<204800x128xf32, #tpu.memory_space<hbm>> -> memref<80x128xf32, #tpu.memory_space<hbm>>
    %dma_wait3A_125 = tpu.memref_slice %arg8[%dma_wait3A_118] : memref<10x!tpu.dma_semaphore, #tpu.memory_space<semaphore_mem>> -> memref<1x!tpu.dma_semaphore, #tpu.memory_space<semaphore_mem>>
    %dma_wait3A_126 = tpu.memref_squeeze %dma_wait3A_125 : memref<1x!tpu.dma_semaphore, #tpu.memory_space<semaphore_mem>> -> memref<!tpu.dma_semaphore, #tpu.memory_space<semaphore_mem>>
    %dma_wait3A_127 = arith.constant 0 : i32
    %dma_wait3A_128 = tpu.memref_slice %arg4[%add3A_116, %dma_wait3A_127] : memref<204800x128xf32, #tpu.memory_space<hbm>> -> memref<80x128xf32, #tpu.memory_space<hbm>>
    %dma_wait3A_129 = arith.constant 0 : i32
    %dma_wait3A_130 = arith.constant 0 : i32
    %dma_wait3A_131 = tpu.memref_slice %arg6[%dma_wait3A_117, %dma_wait3A_129, %dma_wait3A_130] : memref<10x80x128xf32, #tpu.memory_space<vmem>> -> memref<1x80x128xf32, #tpu.memory_space<vmem>>
    %dma_wait3A_132 = tpu.memref_squeeze %dma_wait3A_131 : memref<1x80x128xf32, #tpu.memory_space<vmem>> -> memref<80x128xf32, #tpu.memory_space<vmem>>
    tpu.wait_dma2 semaphore(%dma_wait3A_126 : memref<!tpu.dma_semaphore, #tpu.memory_space<semaphore_mem>>) src(%dma_wait3A_132 : memref<80x128xf32, #tpu.memory_space<vmem>>) dst(%dma_wait3A_128 : memref<80x128xf32, #tpu.memory_space<hbm>>)
    %add3A_133 = arith.constant 5760 : i32
    %add3A_134 = arith.addi %mul3A_2, %add3A_133 : i32
    %dma_wait3A_135 = arith.constant 2 : i32
    %dma_wait3A_136 = arith.constant 2 : i32
    %dma_wait3A_137 = arith.constant 0 : i32
    %dma_wait3A_138 = arith.constant 0 : i32
    %dma_wait3A_139 = tpu.memref_slice %arg6[%dma_wait3A_135, %dma_wait3A_137, %dma_wait3A_138] : memref<10x80x128xf32, #tpu.memory_space<vmem>> -> memref<1x80x128xf32, #tpu.memory_space<vmem>>
    %dma_wait3A_140 = tpu.memref_squeeze %dma_wait3A_139 : memref<1x80x128xf32, #tpu.memory_space<vmem>> -> memref<80x128xf32, #tpu.memory_space<vmem>>
    %dma_wait3A_141 = arith.constant 0 : i32
    %dma_wait3A_142 = tpu.memref_slice %arg4[%add3A_134, %dma_wait3A_141] : memref<204800x128xf32, #tpu.memory_space<hbm>> -> memref<80x128xf32, #tpu.memory_space<hbm>>
    %dma_wait3A_143 = tpu.memref_slice %arg8[%dma_wait3A_136] : memref<10x!tpu.dma_semaphore, #tpu.memory_space<semaphore_mem>> -> memref<1x!tpu.dma_semaphore, #tpu.memory_space<semaphore_mem>>
    %dma_wait3A_144 = tpu.memref_squeeze %dma_wait3A_143 : memref<1x!tpu.dma_semaphore, #tpu.memory_space<semaphore_mem>> -> memref<!tpu.dma_semaphore, #tpu.memory_space<semaphore_mem>>
    %dma_wait3A_145 = arith.constant 0 : i32
    %dma_wait3A_146 = tpu.memref_slice %arg4[%add3A_134, %dma_wait3A_145] : memref<204800x128xf32, #tpu.memory_space<hbm>> -> memref<80x128xf32, #tpu.memory_space<hbm>>
    %dma_wait3A_147 = arith.constant 0 : i32
    %dma_wait3A_148 = arith.constant 0 : i32
    %dma_wait3A_149 = tpu.memref_slice %arg6[%dma_wait3A_135, %dma_wait3A_147, %dma_wait3A_148] : memref<10x80x128xf32, #tpu.memory_space<vmem>> -> memref<1x80x128xf32, #tpu.memory_space<vmem>>
    %dma_wait3A_150 = tpu.memref_squeeze %dma_wait3A_149 : memref<1x80x128xf32, #tpu.memory_space<vmem>> -> memref<80x128xf32, #tpu.memory_space<vmem>>
    tpu.wait_dma2 semaphore(%dma_wait3A_144 : memref<!tpu.dma_semaphore, #tpu.memory_space<semaphore_mem>>) src(%dma_wait3A_150 : memref<80x128xf32, #tpu.memory_space<vmem>>) dst(%dma_wait3A_146 : memref<80x128xf32, #tpu.memory_space<hbm>>)
    %add3A_151 = arith.constant 5840 : i32
    %add3A_152 = arith.addi %mul3A_2, %add3A_151 : i32
    %dma_wait3A_153 = arith.constant 3 : i32
    %dma_wait3A_154 = arith.constant 3 : i32
    %dma_wait3A_155 = arith.constant 0 : i32
    %dma_wait3A_156 = arith.constant 0 : i32
    %dma_wait3A_157 = tpu.memref_slice %arg6[%dma_wait3A_153, %dma_wait3A_155, %dma_wait3A_156] : memref<10x80x128xf32, #tpu.memory_space<vmem>> -> memref<1x80x128xf32, #tpu.memory_space<vmem>>
    %dma_wait3A_158 = tpu.memref_squeeze %dma_wait3A_157 : memref<1x80x128xf32, #tpu.memory_space<vmem>> -> memref<80x128xf32, #tpu.memory_space<vmem>>
    %dma_wait3A_159 = arith.constant 0 : i32
    %dma_wait3A_160 = tpu.memref_slice %arg4[%add3A_152, %dma_wait3A_159] : memref<204800x128xf32, #tpu.memory_space<hbm>> -> memref<80x128xf32, #tpu.memory_space<hbm>>
    %dma_wait3A_161 = tpu.memref_slice %arg8[%dma_wait3A_154] : memref<10x!tpu.dma_semaphore, #tpu.memory_space<semaphore_mem>> -> memref<1x!tpu.dma_semaphore, #tpu.memory_space<semaphore_mem>>
    %dma_wait3A_162 = tpu.memref_squeeze %dma_wait3A_161 : memref<1x!tpu.dma_semaphore, #tpu.memory_space<semaphore_mem>> -> memref<!tpu.dma_semaphore, #tpu.memory_space<semaphore_mem>>
    %dma_wait3A_163 = arith.constant 0 : i32
    %dma_wait3A_164 = tpu.memref_slice %arg4[%add3A_152, %dma_wait3A_163] : memref<204800x128xf32, #tpu.memory_space<hbm>> -> memref<80x128xf32, #tpu.memory_space<hbm>>
    %dma_wait3A_165 = arith.constant 0 : i32
    %dma_wait3A_166 = arith.constant 0 : i32
    %dma_wait3A_167 = tpu.memref_slice %arg6[%dma_wait3A_153, %dma_wait3A_165, %dma_wait3A_166] : memref<10x80x128xf32, #tpu.memory_space<vmem>> -> memref<1x80x128xf32, #tpu.memory_space<vmem>>
    %dma_wait3A_168 = tpu.memref_squeeze %dma_wait3A_167 : memref<1x80x128xf32, #tpu.memory_space<vmem>> -> memref<80x128xf32, #tpu.memory_space<vmem>>
    tpu.wait_dma2 semaphore(%dma_wait3A_162 : memref<!tpu.dma_semaphore, #tpu.memory_space<semaphore_mem>>) src(%dma_wait3A_168 : memref<80x128xf32, #tpu.memory_space<vmem>>) dst(%dma_wait3A_164 : memref<80x128xf32, #tpu.memory_space<hbm>>)
    %add3A_169 = arith.constant 5920 : i32
    %add3A_170 = arith.addi %mul3A_2, %add3A_169 : i32
    %dma_wait3A_171 = arith.constant 4 : i32
    %dma_wait3A_172 = arith.constant 4 : i32
    %dma_wait3A_173 = arith.constant 0 : i32
    %dma_wait3A_174 = arith.constant 0 : i32
    %dma_wait3A_175 = tpu.memref_slice %arg6[%dma_wait3A_171, %dma_wait3A_173, %dma_wait3A_174] : memref<10x80x128xf32, #tpu.memory_space<vmem>> -> memref<1x80x128xf32, #tpu.memory_space<vmem>>
    %dma_wait3A_176 = tpu.memref_squeeze %dma_wait3A_175 : memref<1x80x128xf32, #tpu.memory_space<vmem>> -> memref<80x128xf32, #tpu.memory_space<vmem>>
    %dma_wait3A_177 = arith.constant 0 : i32
    %dma_wait3A_178 = tpu.memref_slice %arg4[%add3A_170, %dma_wait3A_177] : memref<204800x128xf32, #tpu.memory_space<hbm>> -> memref<80x128xf32, #tpu.memory_space<hbm>>
    %dma_wait3A_179 = tpu.memref_slice %arg8[%dma_wait3A_172] : memref<10x!tpu.dma_semaphore, #tpu.memory_space<semaphore_mem>> -> memref<1x!tpu.dma_semaphore, #tpu.memory_space<semaphore_mem>>
    %dma_wait3A_180 = tpu.memref_squeeze %dma_wait3A_179 : memref<1x!tpu.dma_semaphore, #tpu.memory_space<semaphore_mem>> -> memref<!tpu.dma_semaphore, #tpu.memory_space<semaphore_mem>>
    %dma_wait3A_181 = arith.constant 0 : i32
    %dma_wait3A_182 = tpu.memref_slice %arg4[%add3A_170, %dma_wait3A_181] : memref<204800x128xf32, #tpu.memory_space<hbm>> -> memref<80x128xf32, #tpu.memory_space<hbm>>
    %dma_wait3A_183 = arith.constant 0 : i32
    %dma_wait3A_184 = arith.constant 0 : i32
    %dma_wait3A_185 = tpu.memref_slice %arg6[%dma_wait3A_171, %dma_wait3A_183, %dma_wait3A_184] : memref<10x80x128xf32, #tpu.memory_space<vmem>> -> memref<1x80x128xf32, #tpu.memory_space<vmem>>
    %dma_wait3A_186 = tpu.memref_squeeze %dma_wait3A_185 : memref<1x80x128xf32, #tpu.memory_space<vmem>> -> memref<80x128xf32, #tpu.memory_space<vmem>>
    tpu.wait_dma2 semaphore(%dma_wait3A_180 : memref<!tpu.dma_semaphore, #tpu.memory_space<semaphore_mem>>) src(%dma_wait3A_186 : memref<80x128xf32, #tpu.memory_space<vmem>>) dst(%dma_wait3A_182 : memref<80x128xf32, #tpu.memory_space<hbm>>)
    %add3A_187 = arith.constant 6000 : i32
    %add3A_188 = arith.addi %mul3A_2, %add3A_187 : i32
    %dma_wait3A_189 = arith.constant 5 : i32
    %dma_wait3A_190 = arith.constant 5 : i32
    %dma_wait3A_191 = arith.constant 0 : i32
    %dma_wait3A_192 = arith.constant 0 : i32
    %dma_wait3A_193 = tpu.memref_slice %arg6[%dma_wait3A_189, %dma_wait3A_191, %dma_wait3A_192] : memref<10x80x128xf32, #tpu.memory_space<vmem>> -> memref<1x80x128xf32, #tpu.memory_space<vmem>>
    %dma_wait3A_194 = tpu.memref_squeeze %dma_wait3A_193 : memref<1x80x128xf32, #tpu.memory_space<vmem>> -> memref<80x128xf32, #tpu.memory_space<vmem>>
    %dma_wait3A_195 = arith.constant 0 : i32
    %dma_wait3A_196 = tpu.memref_slice %arg4[%add3A_188, %dma_wait3A_195] : memref<204800x128xf32, #tpu.memory_space<hbm>> -> memref<80x128xf32, #tpu.memory_space<hbm>>
    %dma_wait3A_197 = tpu.memref_slice %arg8[%dma_wait3A_190] : memref<10x!tpu.dma_semaphore, #tpu.memory_space<semaphore_mem>> -> memref<1x!tpu.dma_semaphore, #tpu.memory_space<semaphore_mem>>
    %dma_wait3A_198 = tpu.memref_squeeze %dma_wait3A_197 : memref<1x!tpu.dma_semaphore, #tpu.memory_space<semaphore_mem>> -> memref<!tpu.dma_semaphore, #tpu.memory_space<semaphore_mem>>
    %dma_wait3A_199 = arith.constant 0 : i32
    %dma_wait3A_200 = tpu.memref_slice %arg4[%add3A_188, %dma_wait3A_199] : memref<204800x128xf32, #tpu.memory_space<hbm>> -> memref<80x128xf32, #tpu.memory_space<hbm>>
    %dma_wait3A_201 = arith.constant 0 : i32
    %dma_wait3A_202 = arith.constant 0 : i32
    %dma_wait3A_203 = tpu.memref_slice %arg6[%dma_wait3A_189, %dma_wait3A_201, %dma_wait3A_202] : memref<10x80x128xf32, #tpu.memory_space<vmem>> -> memref<1x80x128xf32, #tpu.memory_space<vmem>>
    %dma_wait3A_204 = tpu.memref_squeeze %dma_wait3A_203 : memref<1x80x128xf32, #tpu.memory_space<vmem>> -> memref<80x128xf32, #tpu.memory_space<vmem>>
    tpu.wait_dma2 semaphore(%dma_wait3A_198 : memref<!tpu.dma_semaphore, #tpu.memory_space<semaphore_mem>>) src(%dma_wait3A_204 : memref<80x128xf32, #tpu.memory_space<vmem>>) dst(%dma_wait3A_200 : memref<80x128xf32, #tpu.memory_space<hbm>>)
    %add3A_205 = arith.constant 6080 : i32
    %add3A_206 = arith.addi %mul3A_2, %add3A_205 : i32
    %dma_wait3A_207 = arith.constant 6 : i32
    %dma_wait3A_208 = arith.constant 6 : i32
    %dma_wait3A_209 = arith.constant 0 : i32
    %dma_wait3A_210 = arith.constant 0 : i32
    %dma_wait3A_211 = tpu.memref_slice %arg6[%dma_wait3A_207, %dma_wait3A_209, %dma_wait3A_210] : memref<10x80x128xf32, #tpu.memory_space<vmem>> -> memref<1x80x128xf32, #tpu.memory_space<vmem>>
    %dma_wait3A_212 = tpu.memref_squeeze %dma_wait3A_211 : memref<1x80x128xf32, #tpu.memory_space<vmem>> -> memref<80x128xf32, #tpu.memory_space<vmem>>
    %dma_wait3A_213 = arith.constant 0 : i32
    %dma_wait3A_214 = tpu.memref_slice %arg4[%add3A_206, %dma_wait3A_213] : memref<204800x128xf32, #tpu.memory_space<hbm>> -> memref<80x128xf32, #tpu.memory_space<hbm>>
    %dma_wait3A_215 = tpu.memref_slice %arg8[%dma_wait3A_208] : memref<10x!tpu.dma_semaphore, #tpu.memory_space<semaphore_mem>> -> memref<1x!tpu.dma_semaphore, #tpu.memory_space<semaphore_mem>>
    %dma_wait3A_216 = tpu.memref_squeeze %dma_wait3A_215 : memref<1x!tpu.dma_semaphore, #tpu.memory_space<semaphore_mem>> -> memref<!tpu.dma_semaphore, #tpu.memory_space<semaphore_mem>>
    %dma_wait3A_217 = arith.constant 0 : i32
    %dma_wait3A_218 = tpu.memref_slice %arg4[%add3A_206, %dma_wait3A_217] : memref<204800x128xf32, #tpu.memory_space<hbm>> -> memref<80x128xf32, #tpu.memory_space<hbm>>
    %dma_wait3A_219 = arith.constant 0 : i32
    %dma_wait3A_220 = arith.constant 0 : i32
    %dma_wait3A_221 = tpu.memref_slice %arg6[%dma_wait3A_207, %dma_wait3A_219, %dma_wait3A_220] : memref<10x80x128xf32, #tpu.memory_space<vmem>> -> memref<1x80x128xf32, #tpu.memory_space<vmem>>
    %dma_wait3A_222 = tpu.memref_squeeze %dma_wait3A_221 : memref<1x80x128xf32, #tpu.memory_space<vmem>> -> memref<80x128xf32, #tpu.memory_space<vmem>>
    tpu.wait_dma2 semaphore(%dma_wait3A_216 : memref<!tpu.dma_semaphore, #tpu.memory_space<semaphore_mem>>) src(%dma_wait3A_222 : memref<80x128xf32, #tpu.memory_space<vmem>>) dst(%dma_wait3A_218 : memref<80x128xf32, #tpu.memory_space<hbm>>)
    %add3A_223 = arith.constant 6160 : i32
    %add3A_224 = arith.addi %mul3A_2, %add3A_223 : i32
    %dma_wait3A_225 = arith.constant 7 : i32
    %dma_wait3A_226 = arith.constant 7 : i32
    %dma_wait3A_227 = arith.constant 0 : i32
    %dma_wait3A_228 = arith.constant 0 : i32
    %dma_wait3A_229 = tpu.memref_slice %arg6[%dma_wait3A_225, %dma_wait3A_227, %dma_wait3A_228] : memref<10x80x128xf32, #tpu.memory_space<vmem>> -> memref<1x80x128xf32, #tpu.memory_space<vmem>>
    %dma_wait3A_230 = tpu.memref_squeeze %dma_wait3A_229 : memref<1x80x128xf32, #tpu.memory_space<vmem>> -> memref<80x128xf32, #tpu.memory_space<vmem>>
    %dma_wait3A_231 = arith.constant 0 : i32
    %dma_wait3A_232 = tpu.memref_slice %arg4[%add3A_224, %dma_wait3A_231] : memref<204800x128xf32, #tpu.memory_space<hbm>> -> memref<80x128xf32, #tpu.memory_space<hbm>>
    %dma_wait3A_233 = tpu.memref_slice %arg8[%dma_wait3A_226] : memref<10x!tpu.dma_semaphore, #tpu.memory_space<semaphore_mem>> -> memref<1x!tpu.dma_semaphore, #tpu.memory_space<semaphore_mem>>
    %dma_wait3A_234 = tpu.memref_squeeze %dma_wait3A_233 : memref<1x!tpu.dma_semaphore, #tpu.memory_space<semaphore_mem>> -> memref<!tpu.dma_semaphore, #tpu.memory_space<semaphore_mem>>
    %dma_wait3A_235 = arith.constant 0 : i32
    %dma_wait3A_236 = tpu.memref_slice %arg4[%add3A_224, %dma_wait3A_235] : memref<204800x128xf32, #tpu.memory_space<hbm>> -> memref<80x128xf32, #tpu.memory_space<hbm>>
    %dma_wait3A_237 = arith.constant 0 : i32
    %dma_wait3A_238 = arith.constant 0 : i32
    %dma_wait3A_239 = tpu.memref_slice %arg6[%dma_wait3A_225, %dma_wait3A_237, %dma_wait3A_238] : memref<10x80x128xf32, #tpu.memory_space<vmem>> -> memref<1x80x128xf32, #tpu.memory_space<vmem>>
    %dma_wait3A_240 = tpu.memref_squeeze %dma_wait3A_239 : memref<1x80x128xf32, #tpu.memory_space<vmem>> -> memref<80x128xf32, #tpu.memory_space<vmem>>
    tpu.wait_dma2 semaphore(%dma_wait3A_234 : memref<!tpu.dma_semaphore, #tpu.memory_space<semaphore_mem>>) src(%dma_wait3A_240 : memref<80x128xf32, #tpu.memory_space<vmem>>) dst(%dma_wait3A_236 : memref<80x128xf32, #tpu.memory_space<hbm>>)
    %add3A_241 = arith.constant 6240 : i32
    %add3A_242 = arith.addi %mul3A_2, %add3A_241 : i32
    %dma_wait3A_243 = arith.constant 8 : i32
    %dma_wait3A_244 = arith.constant 8 : i32
    %dma_wait3A_245 = arith.constant 0 : i32
    %dma_wait3A_246 = arith.constant 0 : i32
    %dma_wait3A_247 = tpu.memref_slice %arg6[%dma_wait3A_243, %dma_wait3A_245, %dma_wait3A_246] : memref<10x80x128xf32, #tpu.memory_space<vmem>> -> memref<1x80x128xf32, #tpu.memory_space<vmem>>
    %dma_wait3A_248 = tpu.memref_squeeze %dma_wait3A_247 : memref<1x80x128xf32, #tpu.memory_space<vmem>> -> memref<80x128xf32, #tpu.memory_space<vmem>>
    %dma_wait3A_249 = arith.constant 0 : i32
    %dma_wait3A_250 = tpu.memref_slice %arg4[%add3A_242, %dma_wait3A_249] : memref<204800x128xf32, #tpu.memory_space<hbm>> -> memref<80x128xf32, #tpu.memory_space<hbm>>
    %dma_wait3A_251 = tpu.memref_slice %arg8[%dma_wait3A_244] : memref<10x!tpu.dma_semaphore, #tpu.memory_space<semaphore_mem>> -> memref<1x!tpu.dma_semaphore, #tpu.memory_space<semaphore_mem>>
    %dma_wait3A_252 = tpu.memref_squeeze %dma_wait3A_251 : memref<1x!tpu.dma_semaphore, #tpu.memory_space<semaphore_mem>> -> memref<!tpu.dma_semaphore, #tpu.memory_space<semaphore_mem>>
    %dma_wait3A_253 = arith.constant 0 : i32
    %dma_wait3A_254 = tpu.memref_slice %arg4[%add3A_242, %dma_wait3A_253] : memref<204800x128xf32, #tpu.memory_space<hbm>> -> memref<80x128xf32, #tpu.memory_space<hbm>>
    %dma_wait3A_255 = arith.constant 0 : i32
    %dma_wait3A_256 = arith.constant 0 : i32
    %dma_wait3A_257 = tpu.memref_slice %arg6[%dma_wait3A_243, %dma_wait3A_255, %dma_wait3A_256] : memref<10x80x128xf32, #tpu.memory_space<vmem>> -> memref<1x80x128xf32, #tpu.memory_space<vmem>>
    %dma_wait3A_258 = tpu.memref_squeeze %dma_wait3A_257 : memref<1x80x128xf32, #tpu.memory_space<vmem>> -> memref<80x128xf32, #tpu.memory_space<vmem>>
    tpu.wait_dma2 semaphore(%dma_wait3A_252 : memref<!tpu.dma_semaphore, #tpu.memory_space<semaphore_mem>>) src(%dma_wait3A_258 : memref<80x128xf32, #tpu.memory_space<vmem>>) dst(%dma_wait3A_254 : memref<80x128xf32, #tpu.memory_space<hbm>>)
    %add3A_259 = arith.constant 6320 : i32
    %add3A_260 = arith.addi %mul3A_2, %add3A_259 : i32
    %dma_wait3A_261 = arith.constant 9 : i32
    %dma_wait3A_262 = arith.constant 9 : i32
    %dma_wait3A_263 = arith.constant 0 : i32
    %dma_wait3A_264 = arith.constant 0 : i32
    %dma_wait3A_265 = tpu.memref_slice %arg6[%dma_wait3A_261, %dma_wait3A_263, %dma_wait3A_264] : memref<10x80x128xf32, #tpu.memory_space<vmem>> -> memref<1x80x128xf32, #tpu.memory_space<vmem>>
    %dma_wait3A_266 = tpu.memref_squeeze %dma_wait3A_265 : memref<1x80x128xf32, #tpu.memory_space<vmem>> -> memref<80x128xf32, #tpu.memory_space<vmem>>
    %dma_wait3A_267 = arith.constant 0 : i32
    %dma_wait3A_268 = tpu.memref_slice %arg4[%add3A_260, %dma_wait3A_267] : memref<204800x128xf32, #tpu.memory_space<hbm>> -> memref<80x128xf32, #tpu.memory_space<hbm>>
    %dma_wait3A_269 = tpu.memref_slice %arg8[%dma_wait3A_262] : memref<10x!tpu.dma_semaphore, #tpu.memory_space<semaphore_mem>> -> memref<1x!tpu.dma_semaphore, #tpu.memory_space<semaphore_mem>>
    %dma_wait3A_270 = tpu.memref_squeeze %dma_wait3A_269 : memref<1x!tpu.dma_semaphore, #tpu.memory_space<semaphore_mem>> -> memref<!tpu.dma_semaphore, #tpu.memory_space<semaphore_mem>>
    %dma_wait3A_271 = arith.constant 0 : i32
    %dma_wait3A_272 = tpu.memref_slice %arg4[%add3A_260, %dma_wait3A_271] : memref<204800x128xf32, #tpu.memory_space<hbm>> -> memref<80x128xf32, #tpu.memory_space<hbm>>
    %dma_wait3A_273 = arith.constant 0 : i32
    %dma_wait3A_274 = arith.constant 0 : i32
    %dma_wait3A_275 = tpu.memref_slice %arg6[%dma_wait3A_261, %dma_wait3A_273, %dma_wait3A_274] : memref<10x80x128xf32, #tpu.memory_space<vmem>> -> memref<1x80x128xf32, #tpu.memory_space<vmem>>
    %dma_wait3A_276 = tpu.memref_squeeze %dma_wait3A_275 : memref<1x80x128xf32, #tpu.memory_space<vmem>> -> memref<80x128xf32, #tpu.memory_space<vmem>>
    tpu.wait_dma2 semaphore(%dma_wait3A_270 : memref<!tpu.dma_semaphore, #tpu.memory_space<semaphore_mem>>) src(%dma_wait3A_276 : memref<80x128xf32, #tpu.memory_space<vmem>>) dst(%dma_wait3A_272 : memref<80x128xf32, #tpu.memory_space<hbm>>)
    return
  }
}

</mosaic_0001>

<sc_bundles>
// kernel: _gather_rows.3.cloned.1.call-start
scs
__scs_entry_jumppad:
0x0: {  	(pc) =	sbr.rel $0x88, $3  }
0x1: {  	(tag) =	ssettag $0x0;
	lr =	simm.s32 $0x1  }
0x2: {  	[smem:$0x3F9F] =	sst lr;
	_ =	strace $0xD0000000  }
0x3: {  	_ = 	snop  }
0x4: {  	_ = 	snop  }
0x5: {  	_ = 	snop  }
0x6: {  	_ = 	snop  }
0x7: {  	_ = 	snop  }
__scs_overlays_trampoline_lowered:
0x8: {  	[smem:$0x3FAE] =	sst s0  }
0x9: {  	[smem:$0x3FAF] =	sst s1  }
0xa: {  	[smem:$0x3FB0] =	sst s2  }
0xb: {  	[smem:$0x3FB1] =	sst s3  }
0xc: {  	[smem:$0x3FB2] =	sst s4  }
0xd: {  	[smem:$0x3FB3] =	sst s5  }
0xe: {  	[smem:$0x3FB4] =	sst s6  }
0xf: {  	[smem:$0x3FB5] =	sst s7  }
0x10: {  	[smem:$0x3FB6] =	sst s8  }
0x11: {  	[smem:$0x3FB7] =	sst s9;
	s0 =	simm.s32 @!p0 $0x0  }
0x12: {  	s1 =	sld [smem:$0x3F9D];
	s0 =	simm.s32 @p0 $0x1  }
0x13: {  	[smem:$0x3FB8] =	sst s0;
	s0 =	simm.s32 @!p1 $0x0  }
0x14: {  	s2 =	sld [smem:$0x3F9C];
	s0 =	simm.s32 @p1 $0x1  }
0x15: {  	[smem:$0x3FB9] =	sst s0;
	s0 =	simm.s32 @!p2 $0x0  }
0x16: {  	s3 =	sld [smem:$0x3FDB];
	s0 =	simm.s32 @p2 $0x1  }
0x17: {  	s4 =	simm.s32 $0x1BF5;
	[smem:$0x3FBB] =	sst s0  }
0x18: {  	s0 =	sld [smem:$0x3F9E];
	_ =	swait.ge [sflag:s4], $0x0  }
0x19: {  	s7 =	sld [smem:$0x3F9F]  }
0x1a: {  	s8 =	sadd.s32 $0xFFFFE003, lr  }
0x1b: {  	s9 =	sadd.s32 $0xFFFFFEF7, lr;
	s5 =	simm.s32 $0xFFFFFFFF;
	p2 =	slt.u32 s8, $0xFFFFF086  }
0x1c: {  	p1 =	slt.u32 s9, $0xF7A;
	s5 =	simm.s32 @!p2 $0x0  }
0x1d: {  	s5 =	simm.s32 @p1 $0x1;
	p0 =	seq.s32 s7, s2  }
0x1e: {  	s7 =	smul.u32 @!p0 $0xF7A, s2;
	p2 =	seq.s32 @!p0 s5, $0x0  }
0x1f: {  	s9 =	smul.u32 $0xF7A, s1;
	s8 =	simm.s32 @!p0 $0x1BF5;
	p2 =	por !p2, p0  }
0x20: {  	[sflag:s8] =	ssyncset.s32 @!p0 $0xFFFFF086;
	s6 =	sadd.s32 @!p0 s3, s7;
	s7 =	simm.s32 @!p0 $0x108  }
0x21: {  	s3 =	sadd.s32 s3, s9;
	s6 =	sadd.s32 @!p0 $0x88, s6;
	s7 =	simm.s32 @p2 $0x1082  }
0x22: {  	[simem:s7], [sflag:s8] =	dma.local @!p0 [hbm:s6], $0xF7A  }
0x23: {  	s9 =	sor.u32 $0xD0000000, s2;
	s6 =	simm.s32 $0x108;
	_ =	swait.ge @!p0 [sflag:s8], $0x0  }
0x24: {  	s3 =	sadd.s32 $0x88, s3;
	s6 =	simm.s32 @!p1 $0x1082;
	[sflag:s4] =	ssyncset.s32 $0xFFFFF086  }
0x25: {  	[simem:s6], [sflag:s4] =	dma.local [hbm:s3], $0xF7A  }
0x26: {  	[smem:$0x3F9F] =	sst s1;
	(tag) =	ssettag s2;
	_ =	strace s9  }
0x27: {  	s1 =	sld [smem:$0x3FAF]  }
0x28: {  	s2 =	sld [smem:$0x3FB0]  }
0x29: {  	s4 =	sld [smem:$0x3FB2]  }
0x2a: {  	p0 =	seq.s32 s5, $0x0;
	s5 =	sld [smem:$0x3FB3]  }
0x2b: {  	s6 =	sld [smem:$0x3FB4]  }
0x2c: {  	s7 =	sld [smem:$0x3FB5]  }
0x2d: {  	s3 =	simm.s32 $0x108;
	s8 =	sld [smem:$0x3FB6]  }
0x2e: {  	s3 =	simm.s32 @!p0 $0x1082;
	s9 =	sld [smem:$0x3FB7]  }
0x2f: {  	lr =	sadd.s32 s0, s3;
	s0 =	sld [smem:$0x3FAE]  }
0x30: {  	s3 =	sld [smem:$0x3FB1]  }
0x31: {  	[smem:$0x3FBA] =	sst s10  }
0x32: {  	s10 =	sld [smem:$0x3FB8];
	_ =	sdelay $0x3  }
0x33: {  	p0 =	seq.s32 s10, $0x1;
	s10 =	sld [smem:$0x3FBA];
	_ =	sdelay $0x3  }
0x34: {  	[smem:$0x3FBA] =	sst s10  }
0x35: {  	s10 =	sld [smem:$0x3FB9];
	_ =	sdelay $0x3  }
0x36: {  	p1 =	seq.s32 s10, $0x1;
	s10 =	sld [smem:$0x3FBA];
	_ =	sdelay $0x3  }
0x37: {  	[smem:$0x3FBA] =	sst s10  }
0x38: {  	s10 =	sld [smem:$0x3FBB]  }
0x39: {  	_ = 	snop;
	(pc) =	sbr.ind lr, $3  }
0x3a: {  	_ = 	snop  }
0x3b: {  	_ = 	snop  }
0x3c: {  	p2 =	seq.s32 s10, $0x1;
	s10 =	sld [smem:$0x3FBA]  }
0x3d: {  	_ =	shalt  }
0x3e: {  	_ =	shalt  }
0x3f: {  	_ =	shalt  }
0x40: {  	_ =	shalt  }
0x41: {  	_ =	shalt  }
0x42: {  	_ =	shalt  }
0x43: {  	_ =	shalt  }
0x44: {  	_ =	shalt  }
0x45: {  	_ =	shalt  }
0x46: {  	_ =	shalt  }
0x47: {  	_ =	shalt  }
0x48: {  	_ =	shalt  }
0x49: {  	_ =	shalt  }
0x4a: {  	_ =	shalt  }
0x4b: {  	_ =	shalt  }
0x4c: {  	_ =	shalt  }
0x4d: {  	_ =	shalt  }
0x4e: {  	_ =	shalt  }
0x4f: {  	_ =	shalt  }
0x50: {  	_ =	shalt  }
0x51: {  	_ =	shalt  }
0x52: {  	_ =	shalt  }
0x53: {  	_ =	shalt  }
0x54: {  	_ =	shalt  }
0x55: {  	_ =	shalt  }
0x56: {  	_ =	shalt  }
0x57: {  	_ =	shalt  }
0x58: {  	_ =	shalt  }
0x59: {  	_ =	shalt  }
0x5a: {  	_ =	shalt  }
0x5b: {  	_ =	shalt  }
0x5c: {  	_ =	shalt  }
0x5d: {  	_ =	shalt  }
0x5e: {  	_ =	shalt  }
0x5f: {  	_ =	shalt  }
0x60: {  	_ =	shalt  }
0x61: {  	_ =	shalt  }
0x62: {  	_ =	shalt  }
0x63: {  	_ =	shalt  }
0x64: {  	_ =	shalt  }
0x65: {  	_ =	shalt  }
0x66: {  	_ =	shalt  }
0x67: {  	_ =	shalt  }
0x68: {  	_ =	shalt  }
0x69: {  	_ =	shalt  }
0x6a: {  	_ =	shalt  }
0x6b: {  	_ =	shalt  }
0x6c: {  	_ =	shalt  }
0x6d: {  	_ =	shalt  }
0x6e: {  	_ =	shalt  }
0x6f: {  	_ =	shalt  }
0x70: {  	_ =	shalt  }
0x71: {  	_ =	shalt  }
0x72: {  	_ =	shalt  }
0x73: {  	_ =	shalt  }
0x74: {  	_ =	shalt  }
0x75: {  	_ =	shalt  }
0x76: {  	_ =	shalt  }
0x77: {  	_ =	shalt  }
0x78: {  	_ =	shalt  }
0x79: {  	_ =	shalt  }
0x7a: {  	_ =	shalt  }
0x7b: {  	_ =	shalt  }
0x7c: {  	_ =	shalt  }
0x7d: {  	_ =	shalt  }
0x7e: {  	_ =	shalt  }
0x7f: {  	_ =	shalt  }
0x80: {  	_ =	shalt  }
0x81: {  	_ =	shalt  }
0x82: {  	_ =	shalt  }
0x83: {  	_ =	shalt  }
0x84: {  	_ =	shalt  }
0x85: {  	_ =	shalt  }
0x86: {  	_ =	shalt  }
0x87: {  	_ =	shalt  }
.Lfunc_end0:
.L_simem_size_0:
called_computation_lowered:
.L_overlay_start_0:
0x88: {  	s2 =	sld [smem:$0x3FD9]  }
0x89: {  	s3 =	sld [smem:$0x3FFE];
	_ =	sdelay $0x1  }
0x8a: {  	s1 =	srdreg.scid  }
0x8b: {  	s0 =	sand.u32 $0x1, s1  }
0x8c: {  	s18 =	sshll.u32 s0, $0xA;
	s2 =	sadd.s32 s3, s2  }
0x8d: {  	s2 =	sadd.s32 s2, s18  }
0x8e: {  	[smem:$0x3FC6] =	sst s2  }
0x8f: {  	_ = 	snop  }
0x90: {  	s2 =	sld [smem:$0x3FC9]  }
0x91: {  	s19 =	sld [smem:$0x3FC8]  }
0x92: {  	s4 =	sld [smem:$0x3FD0];
	(tm) =	ssettm $0x1  }
0x93: {  	s5 =	sld [smem:$0x3FFB];
	_ =	sdelay $0x3  }
0x94: {  	_ =	strace s5  }
0x95: {  	s5 =	sld [smem:$0x3FFC];
	_ =	sdelay $0x3  }
0x96: {  	_ =	strace s5  }
0x97: {  	s5 =	sld [smem:$0x3FFD];
	_ =	sdelay $0x3  }
0x98: {  	_ =	strace s5  }
0x99: {  	_ =	strace $0x8FFFFFFF  }
0x9a: {  	s20 =	sld [smem:$0x3FDB];
	_ =	sdelay $0x1  }
0x9b: {  	s6 =	simm.s32 $_scs_section_size  }
0x9c: {  	s7 =	simm.s32 $_size__tile_overlayer_lowered;
	s8 =	simm.s32 $_tile_overlayer_lowered  }
0x9d: {  	s23 =	simm.s32 $0x1BFF;
	s22 =	sshll.u32 s8, $0x1;
	s5 =	sadd.s32 s6, s20  }
0x9e: {  	s9 =	simm.s32 $0x0;
	s21 =	sshll.u32 s7, $0x1;
	s7 =	sadd.s32 s22, s5  }
0x9f: {  	[timem:s9], [sflag:s23] =	dma.local [hbm:s7], s21  }
0xa0: {  	_ =	swait.ge [sflag:s23], s21  }
0xa1: {  	s6 =	ssub.s32 $0x0, s21;
	[sflag:s23] =	ssyncset.done $0x0  }
0xa2: {  	[sflag:s23] =	ssyncadd.s32 s6;
	_ =	sdelay $0x1  }
0xa3: {  	s24 =	simm.s32 $0x1B8B  }
0xa4: {  	_ =	swait.ge [sflag:s24], $0x1  }
0xa5: {  	[sflag:s24] =	ssyncset.done $0x0  }
0xa6: {  	s25 =	simm.s32 $0x1B8E;
	[sflag:s24] =	ssyncadd.s32 $0xFFFFFFFF  }
0xa7: {  	s26 =	simm.s32 $execute0_lowered;
	[smem:$0x3FD2] =	sst s25  }
0xa8: {  	s6 =	sshll.u32 s26, $0x1;
	_ =	strace $0x80000046;
	[dreg:$0x1] =	wrdreg $0xFFFFFFFF  }
0xa9: {  	s28 =	simm.s32 $_size_execute0_lowered;
	s5 =	sadd.s32 s5, s6;
	[dreg:$0x0] =	wrdreg $0x0  }
0xaa: {  	s6 =	sshll.u32 s28, $0x1;
	[dreg:$0x2] =	wrdreg s5  }
0xab: {  	[dreg:$0x3] =	wrdreg s6  }
0xac: {  	[dreg:$0x4] =	wrdreg $0xC0  }
0xad: {  	_ =	task [dreg:s9], $0x5FFFF  }
0xae: {  	[dreg:$0x1] =	wrdreg $0xFFFFFFFF  }
0xaf: {  	[dreg:$0x0] =	wrdreg $0x60  }
0xb0: {  	[dreg:$0x2] =	wrdreg s2  }
0xb1: {  	[dreg:$0x3] =	wrdreg s19  }
0xb2: {  	[dreg:$0x4] =	wrdreg s4  }
0xb3: {  	[dreg:$0x5] =	wrdreg $0x9  }
0xb4: {  	_ =	task.clear_ibuf [dreg:s9], $0x6FFFF;
	_ =	strace $0x90000046  }
0xb5: {  	s29 =	simm.s32 $0x9;
	_ =	strace $0x80000048  }
0xb6: {  	_ =	swait.ge [sflag:s29], $0x1  }
0xb7: {  	[sflag:s29] =	ssyncadd.s32 $0xFFFFFFFF  }
0xb8: {  	_ =	strace $0x90000048  }
0xb9: {  	_ =	sfence  }
0xba: {  	s30 =	sld [smem:$0x0];
	_ =	sdelay $0x2  }
0xbb: {  	s31 =	sshll.u32 s1, $0xD;
	s1 =	sshrl.u32 s1, $0x2  }
0xbc: {  	s3 =	sand.u32 $0x4000, s31;
	s1 =	sadd.s32 s1, s30  }
0xbd: {  	s0 =	sor.u32 s3, s0;
	s1 =	sshll.u32 s1, $0x11  }
0xbe: {  	s0 =	sor.u32 s1, s0  }
0xbf: {  	s0 =	sadd.s32 $0x8F2B, s0  }
0xc0: {  	[sflag:s0] =	ssyncadd.remote.s32 $0x1  }
0xc1: {  	_ =	sfence.sel $0xFFFF  }
0xc2: {  	[dreg:$0x0] =	wrdreg $0xFFFFFFFF;
	(pc) =	sbr.abs _section_cstart, $3  }
0xc3: {  	[dreg:$0x1] =	wrdreg $0xFFFFFFFF  }
0xc4: {  	_ =	task.clear_ibuf [dreg:s9], $0x2FFFF;
	_ =	strace $0x9FFFFFFF  }
0xc5: {  	(tm) =	ssettm $0x7FFFFFFF  }
tec
execute0_lowered:
.L_overlay_start_1:
0x0: {  	(tag) =	ssettag $0x1  }
0x1: {  	s0 =	rddreg [dreg:$0x0];
	s1 =	srdreg.scid  }
0x2: {  	s8 =	stileid.u32;
	s2 =	rddreg [dreg:$0x1]  }
0x3: {  	s4 =	rddreg [dreg:$0x2];
	s10 =	simm.s32 $0x50;
	s14 =	simm.s32 $0x6900  }
0x4: {  	s16 =	simm.s32 $0x9100;
	s20 =	simm.s32 $0xE100;
	s22 =	simm.s32 $0x10900  }
0x5: {  	s23 =	simm.s32 $0x1;
	s24 =	simm.s32 $0x13100;
	s28 =	simm.s32 $0x3  }
0x6: {  	s29 =	simm.s32 $0x18100;
	s30 =	simm.s32 $0x4;
	s31 =	simm.s32 $0x6  }
0x7: {  	s1 =	sand.u32 $0x1, s1;
	s3 =	sshll.u32 s8, $0x1;
	s8 =	smul.u32 $0x32000, s8  }
0x8: {  	s5 =	sor.u32 s1, s3;
	s7 =	ssub.s32 $0x2, s1;
	s1 =	smul.u32 $0x19000, s1  }
0x9: {  	s13 =	simm.s32 $0xA;
	s3 =	simm.s32 $0x0;
	s6 =	smul.u32 $0x1900, s5  }
0xa: {  	[smem:$0x7FF] =	sst s3;
	s5 =	smul.u32 $0x19000, s5;
	s9 =	sshrl.u32 s7, $0x1  }
0xb: {  	s25 =	sadd.s32 s8, s4;
	_ =	strace $0x80000047;
	s7 =	ssub.s32 s7, s9  }
0xc: {  	s9 =	simm.s32 $0x0;
	s6 =	sshrl.u32 s6, $0x3;
	s26 =	smax.u32 s7, $0x1  }
.Ltmp0:
0xd: {  	s4 =	sadd.s32 s4, s5;
	s5 =	simm.s32 $0x11;
	(pc) =	sbr.rel .LBB2_1-.Ltmp0, $4  }
0xe: {  	s0 =	sadd.s32 s0, s6;
	[dreg:$0x5] =	wrdreg s26;
	s6 =	sadd.s32 $0x17200, s4  }
0xf: {  	s7 =	sadd.s32 $0x17C00, s4;
	[dreg:$0x4] =	wrdreg s0;
	s0 =	sadd.s32 s1, s25  }
0x10: {  	s26 =	simm.s32 $0x15900;
	s25 =	simm.s32 $0x2;
	s0 =	sadd.s32 $0x1900, s0  }
0x11: {  	s1 =	simm.s32 $0x8;
	[dreg:$0x6] =	wrdreg s0;
	s0 =	simm.s32 $0x9  }
.LBB2_4:
0x12: {  	s4 =	simm.s32 $0xB  }
0x13: {  	_ =	swait.ge [sflag:s4], $0x2800  }
0x14: {  	[sflag:s4] =	ssyncset.done $0x0  }
0x15: {  	s9 =	simm.s32 $0xC;
	[sflag:s4] =	ssyncadd.s32 $0xFFFFD800  }
0x16: {  	_ =	swait.ge [sflag:s9], $0x2800  }
0x17: {  	[sflag:s9] =	ssyncset.done $0x0  }
0x18: {  	s11 =	simm.s32 $0xD;
	[sflag:s9] =	ssyncadd.s32 $0xFFFFD800  }
0x19: {  	_ =	swait.ge [sflag:s11], $0x2800  }
0x1a: {  	[sflag:s11] =	ssyncset.done $0x0  }
0x1b: {  	s12 =	simm.s32 $0xE;
	[sflag:s11] =	ssyncadd.s32 $0xFFFFD800  }
0x1c: {  	_ =	swait.ge [sflag:s12], $0x2800  }
0x1d: {  	[sflag:s12] =	ssyncset.done $0x0  }
0x1e: {  	s15 =	simm.s32 $0xF;
	[sflag:s12] =	ssyncadd.s32 $0xFFFFD800  }
0x1f: {  	_ =	swait.ge [sflag:s15], $0x2800  }
0x20: {  	[sflag:s15] =	ssyncset.done $0x0  }
0x21: {  	s17 =	simm.s32 $0x10;
	[sflag:s15] =	ssyncadd.s32 $0xFFFFD800  }
0x22: {  	_ =	swait.ge [sflag:s17], $0x2800  }
0x23: {  	[sflag:s17] =	ssyncset.done $0x0  }
0x24: {  	[sflag:s17] =	ssyncadd.s32 $0xFFFFD800  }
0x25: {  	_ =	swait.ge [sflag:s5], $0x2800  }
0x26: {  	[sflag:s5] =	ssyncset.done $0x0  }
0x27: {  	s18 =	simm.s32 $0x12;
	[sflag:s5] =	ssyncadd.s32 $0xFFFFD800  }
0x28: {  	_ =	swait.ge [sflag:s18], $0x2800  }
0x29: {  	[sflag:s18] =	ssyncset.done $0x0  }
0x2a: {  	s19 =	simm.s32 $0x13;
	[sflag:s18] =	ssyncadd.s32 $0xFFFFD800  }
0x2b: {  	_ =	swait.ge [sflag:s19], $0x2800  }
0x2c: {  	[sflag:s19] =	ssyncset.done $0x0  }
0x2d: {  	s8 =	simm.s32 $0x14;
	[sflag:s19] =	ssyncadd.s32 $0xFFFFD800  }
0x2e: {  	_ =	swait.ge [sflag:s8], $0x2800  }
0x2f: {  	s9 =	rddreg [dreg:$0x7]  }
0x30: {  	s21 =	rddreg [dreg:$0x5];
	s9 =	sadd.s32 $0x1, s9  }
0x31: {  	p0 =	sne.s32 s9, s21  }
.Ltmp1:
0x32: {  	_ = 	snop;
	(pc) =	sbr.rel @!p0 .LBB2_5-.Ltmp1, $3  }
0x33: {  	_ =	sdelay $0x1  }
0x34: {  	[sflag:s8] =	ssyncset.done $0x0  }
0x35: {  	[sflag:s8] =	ssyncadd.s32 $0xFFFFD800  }
.LBB2_1:
0x36: {  	[dreg:$0x7] =	wrdreg s9  }
0x37: {  	s4 =	rddreg [dreg:$0x4];
	s9 =	simm.s32 $0x15  }
0x38: {  	[tilespmem:s3], [sflag:$0x15] =	stream.linear.gather [hbm4b:s4+s3], $0x1900, $0x38;
	[tilespmem:$0x1A900] =	vst v63  }
0x39: {  	_ =	swait.ge [sflag:s9], $0x1900  }
0x3a: {  	[sflag:s9] =	ssyncset.done $0x0  }
0x3b: {  	s11 =	simm.s32 $0x1900;
	[sflag:s9] =	ssyncadd.s32 $0xFFFFE700  }
0x3c: {  	[tilespmem:s11], [sflag:$0x1] =	stream.indirect.gather [hbm4b:s2+s10], $0x80, s3, s10, $0xb8;
	[tilespmem:$0x1A900] =	vst v63  }
0x3d: {  	s12 =	simm.s32 $0x4100  }
0x3e: {  	[tilespmem:s12], [sflag:$0x2] =	stream.indirect.gather [hbm4b:s2+s10], $0x80, s10, s10, $0xb8;
	[tilespmem:$0x1A900] =	vst v63  }
0x3f: {  	s15 =	simm.s32 $0xA0  }
0x40: {  	[tilespmem:s14], [sflag:$0x3] =	stream.indirect.gather [hbm4b:s2+s10], $0x80, s15, s10, $0xb8;
	[tilespmem:$0x1A900] =	vst v63  }
0x41: {  	s17 =	simm.s32 $0xF0  }
0x42: {  	[tilespmem:s16], [sflag:$0x4] =	stream.indirect.gather [hbm4b:s2+s10], $0x80, s17, s10, $0xb8;
	[tilespmem:$0x1A900] =	vst v63  }
0x43: {  	s18 =	simm.s32 $0x140;
	s8 =	simm.s32 $0xB900  }
0x44: {  	[tilespmem:s8], [sflag:$0x5] =	stream.indirect.gather [hbm4b:s2+s10], $0x80, s18, s10, $0xb8;
	[tilespmem:$0x1A900] =	vst v63  }
0x45: {  	s19 =	simm.s32 $0x190  }
0x46: {  	[tilespmem:s20], [sflag:$0x6] =	stream.indirect.gather [hbm4b:s2+s10], $0x80, s19, s10, $0xb8;
	[tilespmem:$0x1A900] =	vst v63  }
0x47: {  	s21 =	simm.s32 $0x1E0;
	s18 =	rddreg [dreg:$0x6];
	s19 =	simm.s32 $0x0  }
0x48: {  	[tilespmem:s22], [sflag:$0x7] =	stream.indirect.gather [hbm4b:s2+s10], $0x80, s21, s10, $0xb8;
	[tilespmem:$0x1A900] =	vst v63  }
.LBB2_2:
0x49: {  	_ =	swait.ge [sflag:s23], $0x2800  }
0x4a: {  	s4 =	sadd.s32 $0xFFFFE700, s18;
	[sflag:s23] =	ssyncset.done $0x0  }
0x4b: {  	s8 =	simm.s32 $0x1900;
	p0 =	seq.s32 s19, $0x0;
	[sflag:s23] =	ssyncadd.s32 $0xFFFFD800  }
0x4c: {  	[hbm4b:s4+s3] =	stream.linear.scatter [tilespmem:s8], [sflag:$0xB], $0x2800, $0x38;
	[tilespmem:$0x1A900] =	vst v63  }
0x4d: {  	s4 =	simm.s32 @!p0 $0x12  }
0x4e: {  	_ =	swait.ge @!p0 [sflag:s4], $0x2800  }
0x4f: {  	s21 =	sshra.s32 s19, $0x2;
	[sflag:s4] =	ssyncset.done @!p0 $0x0  }
0x50: {  	s11 =	sadd.s32 $0x230, s21;
	[sflag:s4] =	ssyncadd.s32 @!p0 $0xFFFFD800  }
0x51: {  	[tilespmem:s24], [sflag:$0x8] =	stream.indirect.gather [hbm4b:s2+s10], $0x80, s11, s10, $0xb8;
	[tilespmem:$0x1A900] =	vst v63  }
0x52: {  	_ =	swait.ge [sflag:s25], $0x2800  }
0x53: {  	s12 =	sadd.s32 $0xFFFFEC00, s18;
	[sflag:s25] =	ssyncset.done $0x0  }
0x54: {  	s15 =	simm.s32 $0x4100;
	s4 =	simm.s32 @!p0 $0x13;
	[sflag:s25] =	ssyncadd.s32 $0xFFFFD800  }
0x55: {  	[hbm4b:s12+s3] =	stream.linear.scatter [tilespmem:s15], [sflag:$0xC], $0x2800, $0x38;
	[tilespmem:$0x1A900] =	vst v63  }
0x56: {  	_ =	swait.ge @!p0 [sflag:s4], $0x2800  }
0x57: {  	[sflag:s4] =	ssyncset.done @!p0 $0x0  }
0x58: {  	s17 =	sadd.s32 $0x280, s21;
	[sflag:s4] =	ssyncadd.s32 @!p0 $0xFFFFD800  }
0x59: {  	[tilespmem:s26], [sflag:$0x9] =	stream.indirect.gather [hbm4b:s2+s10], $0x80, s17, s10, $0xb8;
	[tilespmem:$0x1A900] =	vst v63  }
0x5a: {  	_ =	swait.ge [sflag:s28], $0x2800  }
0x5b: {  	[sflag:s28] =	ssyncset.done $0x0  }
0x5c: {  	s8 =	sadd.s32 $0xFFFFF100, s18;
	s4 =	simm.s32 @!p0 $0x14;
	[sflag:s28] =	ssyncadd.s32 $0xFFFFD800  }
0x5d: {  	[hbm4b:s8+s3] =	stream.linear.scatter [tilespmem:s14], [sflag:$0xD], $0x2800, $0x38;
	[tilespmem:$0x1A900] =	vst v63  }
0x5e: {  	_ =	swait.ge @!p0 [sflag:s4], $0x2800  }
0x5f: {  	[sflag:s4] =	ssyncset.done @!p0 $0x0  }
0x60: {  	s9 =	sadd.s32 $0x2D0, s21;
	[sflag:s4] =	ssyncadd.s32 @!p0 $0xFFFFD800  }
0x61: {  	[tilespmem:s29], [sflag:$0xA] =	stream.indirect.gather [hbm4b:s2+s10], $0x80, s9, s10, $0xb8;
	[tilespmem:$0x1A900] =	vst v63  }
0x62: {  	_ =	swait.ge [sflag:s30], $0x2800  }
0x63: {  	p0 =	seq.s32 s19, $0x5780;
	[sflag:s30] =	ssyncset.done $0x0  }
0x64: {  	s11 =	sadd.s32 $0xFFFFF600, s18;
	s4 =	simm.s32 @p0 $0x5;
	[sflag:s30] =	ssyncadd.s32 $0xFFFFD800  }
0x65: {  	[hbm4b:s11+s3] =	stream.linear.scatter [tilespmem:s16], [sflag:$0xE], $0x2800, $0x38;
	[tilespmem:$0x1A900] =	vst v63  }
0x66: {  	_ =	swait.ge @p0 [sflag:s4], $0x2800  }
0x67: {  	[sflag:s4] =	ssyncset.done @p0 $0x0  }
0x68: {  	s9 =	simm.s32 @p0 $0x0;
	[sflag:s4] =	ssyncadd.s32 @p0 $0xFFFFD800;
	s4 =	simm.s32 @p0 $0xB900  }
0x69: {  	[hbm4b:s6+s9] =	stream.linear.scatter @p0 [tilespmem:s4], [sflag:$0xF], $0x2800, $0x38;
	[tilespmem:$0x1A900] =	vst v63  }
0x6a: {  	s4 =	simm.s32 @!p0 $0xB  }
0x6b: {  	_ =	swait.ge @!p0 [sflag:s4], $0x2800  }
0x6c: {  	[sflag:s4] =	ssyncset.done @!p0 $0x0  }
0x6d: {  	[sflag:s4] =	ssyncadd.s32 @!p0 $0xFFFFD800;
	s4 =	sshra.s32 @!p0 s19, $0x2  }
0x6e: {  	s8 =	simm.s32 @!p0 $0x50;
	s17 =	simm.s32 @!p0 $0x1900;
	s15 =	sadd.s32 @!p0 $0x320, s4  }
0x6f: {  	[tilespmem:s17], [sflag:$0x1] =	stream.indirect.gather @!p0 [hbm4b:s2+s8], $0x80, s15, s8, $0xb8;
	[tilespmem:$0x1A900] =	vst v63  }
0x70: {  	s15 =	simm.s32 @!p0 $0x5  }
0x71: {  	_ =	swait.ge @!p0 [sflag:s15], $0x2800  }
0x72: {  	s11 =	simm.s32 @!p0 $0xB900;
	[sflag:s15] =	ssyncset.done @!p0 $0x0  }
0x73: {  	s17 =	simm.s32 @!p0 $0x0;
	[sflag:s15] =	ssyncadd.s32 @!p0 $0xFFFFD800;
	s15 =	sadd.s32 @!p0 $0xFFFFFB00, s18  }
0x74: {  	[hbm4b:s15+s17] =	stream.linear.scatter @!p0 [tilespmem:s11], [sflag:$0xF], $0x2800, $0x38;
	[tilespmem:$0x1A900] =	vst v63  }
0x75: {  	s15 =	simm.s32 @!p0 $0xC  }
0x76: {  	_ =	swait.ge @!p0 [sflag:s15], $0x2800  }
0x77: {  	[sflag:s15] =	ssyncset.done @!p0 $0x0  }
0x78: {  	s12 =	simm.s32 @!p0 $0x4100;
	[sflag:s15] =	ssyncadd.s32 @!p0 $0xFFFFD800;
	s15 =	sadd.s32 @!p0 $0x370, s4  }
0x79: {  	[tilespmem:s12], [sflag:$0x2] =	stream.indirect.gather @!p0 [hbm4b:s2+s8], $0x80, s15, s8, $0xb8;
	[tilespmem:$0x1A900] =	vst v63  }
0x7a: {  	_ =	swait.ge [sflag:s31], $0x2800  }
0x7b: {  	[sflag:s31] =	ssyncset.done $0x0  }
0x7c: {  	s12 =	simm.s32 @p0 $0x7;
	[sflag:s31] =	ssyncadd.s32 $0xFFFFD800  }
0x7d: {  	[hbm4b:s18+s3] =	stream.linear.scatter [tilespmem:s20], [sflag:$0x10], $0x2800, $0x38;
	[tilespmem:$0x1A900] =	vst v63  }
0x7e: {  	_ =	swait.ge @p0 [sflag:s12], $0x2800  }
0x7f: {  	[sflag:s12] =	ssyncset.done @p0 $0x0  }
0x80: {  	[sflag:s12] =	ssyncadd.s32 @p0 $0xFFFFD800;
	s12 =	simm.s32 @p0 $0x10900  }
0x81: {  	[hbm4b:s7+s9] =	stream.linear.scatter @p0 [tilespmem:s12], [sflag:$0x11], $0x2800, $0x38;
	[tilespmem:$0x1A900] =	vst v63  }
0x82: {  	s9 =	simm.s32 @!p0 $0xD  }
0x83: {  	_ =	swait.ge @!p0 [sflag:s9], $0x2800  }
0x84: {  	[sflag:s9] =	ssyncset.done @!p0 $0x0  }
0x85: {  	s12 =	simm.s32 @!p0 $0x6900;
	[sflag:s9] =	ssyncadd.s32 @!p0 $0xFFFFD800;
	s9 =	sadd.s32 @!p0 $0x3C0, s4  }
0x86: {  	[tilespmem:s12], [sflag:$0x3] =	stream.indirect.gather @!p0 [hbm4b:s2+s8], $0x80, s9, s8, $0xb8;
	[tilespmem:$0x1A900] =	vst v63  }
0x87: {  	s9 =	simm.s32 @!p0 $0x7  }
0x88: {  	_ =	swait.ge @!p0 [sflag:s9], $0x2800  }
0x89: {  	[sflag:s9] =	ssyncset.done @!p0 $0x0  }
0x8a: {  	s12 =	simm.s32 @!p0 $0x10900;
	[sflag:s9] =	ssyncadd.s32 @!p0 $0xFFFFD800;
	s9 =	sadd.s32 @!p0 $0x500, s18  }
0x8b: {  	[hbm4b:s9+s17] =	stream.linear.scatter @!p0 [tilespmem:s12], [sflag:$0x11], $0x2800, $0x38;
	[tilespmem:$0x1A900] =	vst v63  }
0x8c: {  	s9 =	simm.s32 @!p0 $0xE  }
0x8d: {  	_ =	swait.ge @!p0 [sflag:s9], $0x2800  }
0x8e: {  	[sflag:s9] =	ssyncset.done @!p0 $0x0  }
0x8f: {  	s12 =	simm.s32 @!p0 $0x9100;
	[sflag:s9] =	ssyncadd.s32 @!p0 $0xFFFFD800;
	s9 =	sadd.s32 @!p0 $0x410, s4  }
0x90: {  	[tilespmem:s12], [sflag:$0x4] =	stream.indirect.gather @!p0 [hbm4b:s2+s8], $0x80, s9, s8, $0xb8;
	[tilespmem:$0x1A900] =	vst v63  }
0x91: {  	_ =	swait.ge [sflag:s1], $0x2800  }
0x92: {  	[sflag:s1] =	ssyncset.done $0x0  }
0x93: {  	s12 =	sadd.s32 $0xA00, s18;
	s9 =	simm.s32 @!p0 $0xF;
	[sflag:s1] =	ssyncadd.s32 $0xFFFFD800  }
0x94: {  	[hbm4b:s12+s3] =	stream.linear.scatter [tilespmem:s24], [sflag:$0x12], $0x2800, $0x38;
	[tilespmem:$0x1A900] =	vst v63  }
0x95: {  	_ =	swait.ge @!p0 [sflag:s9], $0x2800  }
0x96: {  	[sflag:s9] =	ssyncset.done @!p0 $0x0  }
0x97: {  	[sflag:s9] =	ssyncadd.s32 @!p0 $0xFFFFD800;
	s9 =	sadd.s32 @!p0 $0x460, s4  }
0x98: {  	[tilespmem:s11], [sflag:$0x5] =	stream.indirect.gather @!p0 [hbm4b:s2+s8], $0x80, s9, s8, $0xb8;
	[tilespmem:$0x1A900] =	vst v63  }
0x99: {  	_ =	swait.ge [sflag:s0], $0x2800  }
0x9a: {  	[sflag:s0] =	ssyncset.done $0x0  }
0x9b: {  	s15 =	sadd.s32 $0xF00, s18;
	s9 =	simm.s32 @!p0 $0x10;
	[sflag:s0] =	ssyncadd.s32 $0xFFFFD800  }
0x9c: {  	[hbm4b:s15+s3] =	stream.linear.scatter [tilespmem:s26], [sflag:$0x13], $0x2800, $0x38;
	[tilespmem:$0x1A900] =	vst v63  }
0x9d: {  	_ =	swait.ge @!p0 [sflag:s9], $0x2800  }
0x9e: {  	[sflag:s9] =	ssyncset.done @!p0 $0x0  }
0x9f: {  	s4 =	sadd.s32 @!p0 $0x4B0, s4;
	[sflag:s9] =	ssyncadd.s32 @!p0 $0xFFFFD800;
	s9 =	simm.s32 @!p0 $0xE100  }
0xa0: {  	[tilespmem:s9], [sflag:$0x6] =	stream.indirect.gather @!p0 [hbm4b:s2+s8], $0x80, s4, s8, $0xb8;
	[tilespmem:$0x1A900] =	vst v63  }
.Ltmp2:
0xa1: {  	_ = 	snop;
	(pc) =	sbr.rel @p0 .LBB2_4-.Ltmp2, $4  }
0xa2: {  	_ =	swait.ge [sflag:s13], $0x2800  }
0xa3: {  	[sflag:s13] =	ssyncset.done $0x0  }
0xa4: {  	s17 =	sadd.s32 $0x1400, s18;
	[sflag:s13] =	ssyncadd.s32 $0xFFFFD800  }
0xa5: {  	[hbm4b:s17+s3] =	stream.linear.scatter [tilespmem:s29], [sflag:$0x14], $0x2800, $0x38;
	[tilespmem:$0x1A900] =	vst v63  }
.Ltmp3:
0xa6: {  	(pc) =	sbr.rel .LBB2_2-.Ltmp3, $4  }
0xa7: {  	_ =	swait.ge [sflag:s5], $0x2800  }
0xa8: {  	s4 =	sadd.s32 $0x500, s21;
	[sflag:s5] =	ssyncset.done $0x0  }
0xa9: {  	s19 =	sadd.s32 $0xC80, s19;
	s18 =	sadd.s32 $0x3200, s18;
	[sflag:s5] =	ssyncadd.s32 $0xFFFFD800  }
0xaa: {  	[tilespmem:s22], [sflag:$0x7] =	stream.indirect.gather [hbm4b:s2+s10], $0x80, s4, s10, $0xb8;
	[tilespmem:$0x1A900] =	vst v63  }
.LBB2_5:
0xab: {  	_ =	sfence.sel $0x180000  }
0xac: {  	[bflag:$0x0] =	sbarrier.arrive $0xFFFF  }
0xad: {  	_ =	strace $0x90000047  }
0xae: {  	s0 =	stileid.u32;
	[bflag:$0x2] =	sbarrier.arrive $0xFFFF  }
0xaf: {  	p0 =	sne.s32 s0, $0x0;
	s0 =	rddreg [dreg:$0x3]  }
0xb0: {  	s0 =	sadd.s32 @!p0 $0x100000, s0  }
0xb1: {  	[sflag:s0] =	ssyncadd.tile.s32 @!p0 $0x1;
	_ =	shalt  }
.Lfunc_end2:
_tile_overlayer_lowered:
.L_overlay_start_2:
0xb2: {  	(tag) =	ssettag $0x2  }
0xb3: {  	s0 =	rddreg [dreg:$0x0];
	s2 =	stileid.u32  }
0xb4: {  	s1 =	rddreg [dreg:$0x1];
	p0 =	sne.s32 s2, $0x0  }
0xb5: {  	s3 =	rddreg [dreg:$0x2];
	[bflag:$0x3] =	sbarrier.arrive $0xFFFF;
	s2 =	simm.s32 @!p0 $0x1C15  }
0xb6: {  	[timem:s3], [sflag:s2] =	dma.local @!p0 [hbm:s0], s1  }
0xb7: {  	s0 =	simm.s32 @!p0 $0x15  }
0xb8: {  	_ =	swait.ge @!p0 [sflag:s0], s1  }
0xb9: {  	s1 =	ssub.s32 @!p0 $0x0, s1;
	[sflag:s0] =	ssyncset.done @!p0 $0x0  }
0xba: {  	[sflag:s0] =	ssyncadd.s32 @!p0 s1  }
0xbb: {  	[bflag:$0x3] =	sbarrier.arrive $0xFFFF  }
0xbc: {  	_ =	shalt  }

</sc_bundles>
